<compile_context>
chip_gen: v7x
topology: tpu7x:2x2x1
jax: 0.10.2.dev20260603
libtpu: 0.0.44.dev20260713+nightly
codegen_flags: <defaults>
</compile_context>

<pallas_src>
import functools

import jax
import jax.numpy as jnp
from jax import lax
from jax.experimental import pallas as pl
from jax.experimental.pallas import tpu as pltpu
from jax.experimental.pallas import tpu_sc as plsc

N = 10000
D = 128
E = 320000
NC = 2
NS = 16
NW = NC * NS
L = 16
NP = 10240
RPT = NP // NS
EA = E // NW
CB = 96
EP = ((E + NW * CB - 1) // (NW * CB)) * (NW * CB)
TB = EP // NW
CHUNKS = TB // CB

_mesh = plsc.VectorSubcoreMesh(core_axis_name="c", subcore_axis_name="s")
_sc_params = pltpu.CompilerParams(needs_layout_passes=False)


def _wid():
    return lax.axis_index("s") * NC + lax.axis_index("c")


@functools.partial(
    pl.kernel,
    out_type=jax.ShapeDtypeStruct((NW, NP), jnp.float32),
    mesh=_mesh,
    scratch_types=[
        pltpu.VMEM((EA,), jnp.int32),
        pltpu.VMEM((NP,), jnp.float32),
    ],
    compiler_params=_sc_params,
)
def _deg_hist(col_hbm, out_hbm, col_v, hist_v):
    wid = _wid()
    zeros16 = jnp.zeros((L,), jnp.float32)
    ones16 = jnp.ones((L,), jnp.float32)

    @pl.loop(0, NP, step=L)
    def _(i):
        hist_v[pl.ds(i, L)] = zeros16

    pltpu.sync_copy(col_hbm.at[pl.ds(wid * EA, EA)], col_v)

    @pl.loop(0, EA, step=L)
    def _(i):
        idx = col_v[pl.ds(i, L)]
        plsc.addupdate_scatter(hist_v, [idx], ones16)

    pltpu.sync_copy(hist_v, out_hbm.at[wid])


@functools.partial(
    pl.kernel,
    out_type=jax.ShapeDtypeStruct((NC, NP, D), jnp.float32),
    mesh=_mesh,
    scratch_types=[
        pltpu.VMEM((TB,), jnp.int32),
        pltpu.VMEM((CHUNKS, CB), jnp.int32),
        pltpu.VMEM((2, CB, D), jnp.float32),
        pltpu.VMEM_SHARED((NP, D), jnp.float32),
        pltpu.SemaphoreType.DMA,
        pltpu.SemaphoreType.DMA,
    ],
)
def _prop1(row_hbm, col_hbm, y1_hbm, out_hbm, row_v, col_v, gbuf,
           acc_sh, gsem0, gsem1):
    cid = lax.axis_index("c")
    sid = lax.axis_index("s")
    wid = sid * NC + cid

    zeros16 = jnp.zeros((L,), jnp.float32)

    @pl.loop(0, 64)
    def _(r):
        @pl.loop(0, D, step=L)
        def _(j):
            gbuf[0, r, pl.ds(j, L)] = zeros16

    @pl.loop(0, RPT, step=64)
    def _(j):
        pltpu.sync_copy(gbuf.at[0, pl.ds(0, 64)],
                        acc_sh.at[pl.ds(sid * RPT + j, 64)])

    pltpu.sync_copy(row_hbm.at[pl.ds(wid * TB, TB)], row_v)
    pltpu.sync_copy(col_hbm.at[wid], col_v)

    plsc.subcore_barrier()

    gsems = [gsem0, gsem1]

    def start(c, b):
        pltpu.async_copy(y1_hbm.at[row_v.at[pl.ds(c * CB, CB)]],
                         gbuf.at[b], gsems[b])

    def flush(c, b):
        pltpu.make_async_copy(y1_hbm.at[row_v.at[pl.ds(c * CB, CB)]],
                              gbuf.at[b], gsems[b]).wait()
        pltpu.sync_copy(gbuf.at[b], acc_sh.at[col_v.at[c]], add=True)

    start(0, 0)

    @pl.loop(0, CHUNKS - 1, step=2)
    def _(c):
        start(c + 1, 1)
        flush(c, 0)
        start(c + 2, 0)
        flush(c + 1, 1)

    flush(CHUNKS - 1, 0)
    plsc.subcore_barrier()

    pltpu.sync_copy(
        acc_sh.at[pl.ds(sid * RPT, RPT)],
        out_hbm.at[cid, pl.ds(sid * RPT, RPT)],
    )


@functools.partial(
    pl.kernel,
    out_type=jax.ShapeDtypeStruct((NW, NP), jnp.float32),
    mesh=_mesh,
    scratch_types=[
        pltpu.VMEM((EA,), jnp.int32),
        pltpu.VMEM((EA,), jnp.int32),
        pltpu.VMEM((NP,), jnp.float32),
        pltpu.VMEM((NP,), jnp.float32),
    ],
    compiler_params=_sc_params,
)
def _prop2(row_hbm, col_hbm, y2_hbm, out_hbm, row_v, col_v, y2_v, s2_v):
    wid = _wid()
    zeros16 = jnp.zeros((L,), jnp.float32)

    @pl.loop(0, NP, step=L)
    def _(i):
        s2_v[pl.ds(i, L)] = zeros16

    pltpu.sync_copy(row_hbm.at[pl.ds(wid * EA, EA)], row_v)
    pltpu.sync_copy(col_hbm.at[pl.ds(wid * EA, EA)], col_v)
    pltpu.sync_copy(y2_hbm, y2_v)

    @pl.loop(0, EA, step=L)
    def _(i):
        r = row_v[pl.ds(i, L)]
        vals = plsc.load_gather(y2_v, [r])
        cc = col_v[pl.ds(i, L)]
        plsc.addupdate_scatter(s2_v, [cc], vals)

    pltpu.sync_copy(s2_v, out_hbm.at[wid])


BLK = 1024
GRID = NP // BLK


def _tc1_body(x_ref, w1_ref, degp_ref, y1_ref, dis_ref):
    deg = jnp.sum(degp_ref[...], axis=0) + 1.0
    dis = lax.rsqrt(deg)
    xw = jnp.dot(x_ref[...], w1_ref[...], preferred_element_type=jnp.float32)
    y1_ref[...] = xw * dis[:, None]
    dis_ref[...] = dis


_tc1 = pl.pallas_call(
    _tc1_body,
    grid=(GRID,),
    in_specs=[
        pl.BlockSpec((BLK, D), lambda i: (i, 0)),
        pl.BlockSpec((D, D), lambda i: (0, 0)),
        pl.BlockSpec((NW, BLK), lambda i: (0, i)),
    ],
    out_specs=[
        pl.BlockSpec((BLK, D), lambda i: (i, 0)),
        pl.BlockSpec((BLK,), lambda i: (i,)),
    ],
    out_shape=[
        jax.ShapeDtypeStruct((NP, D), jnp.float32),
        jax.ShapeDtypeStruct((NP,), jnp.float32),
    ],
)


def _tc2_body(p0_ref, p1_ref, y1_ref, dis_ref, w2_ref, b1_ref, y2_ref):
    dis = dis_ref[...]
    s1 = p0_ref[...] + p1_ref[...] + y1_ref[...]
    h = jnp.maximum(dis[:, None] * s1 + b1_ref[...][None, :], 0.0)
    y2 = jnp.dot(h, w2_ref[...], preferred_element_type=jnp.float32)
    y2_ref[...] = y2[:, 0] * dis


_tc2 = pl.pallas_call(
    _tc2_body,
    grid=(GRID,),
    in_specs=[
        pl.BlockSpec((BLK, D), lambda i: (i, 0)),
        pl.BlockSpec((BLK, D), lambda i: (i, 0)),
        pl.BlockSpec((BLK, D), lambda i: (i, 0)),
        pl.BlockSpec((BLK,), lambda i: (i,)),
        pl.BlockSpec((D, 1), lambda i: (0, 0)),
        pl.BlockSpec((D,), lambda i: (0,)),
    ],
    out_specs=pl.BlockSpec((BLK,), lambda i: (i,)),
    out_shape=jax.ShapeDtypeStruct((NP,), jnp.float32),
)


def _tc3_body(qp_ref, y2_ref, dis_ref, b2_ref, out_ref):
    s2 = jnp.sum(qp_ref[...], axis=0) + y2_ref[...]
    out_ref[...] = dis_ref[...] * s2 + b2_ref[0]


_tc3 = pl.pallas_call(
    _tc3_body,
    grid=(GRID,),
    in_specs=[
        pl.BlockSpec((NW, BLK), lambda i: (0, i)),
        pl.BlockSpec((BLK,), lambda i: (i,)),
        pl.BlockSpec((BLK,), lambda i: (i,)),
        pl.BlockSpec((1,), lambda i: (0,)),
    ],
    out_specs=pl.BlockSpec((BLK,), lambda i: (i,)),
    out_shape=jax.ShapeDtypeStruct((NP,), jnp.float32),
)


def kernel(x, edge_index, W1, b1, W2, b2):
    row = edge_index[0].astype(jnp.int32)
    col = edge_index[1].astype(jnp.int32)
    pad = EP - E
    row_b = jnp.concatenate([row, jnp.zeros((pad,), jnp.int32)])
    col_b = jnp.concatenate([col, jnp.full((pad,), N, jnp.int32)])
    col_b = col_b.reshape(NW, CHUNKS, CB)
    xp = jnp.zeros((NP, D), x.dtype).at[:N].set(x)

    degp = _deg_hist(col)
    y1, dis = _tc1(xp, W1, degp)
    p = _prop1(row_b, col_b, y1)
    y2 = _tc2(p[0], p[1], y1, dis, W2, b1)
    q = _prop2(row, col, y2)
    out = _tc3(q, y2, dis, b2)
    return out[:N].reshape(N, 1)

# --- scband reference (transcript-rebuilt; emitter-appended) ---
"""Pipeline reference for scband-gnn-q-22308060136187 (READ-ONLY COPY).

The authoritative reference and input builder live on the scoring server;
editing this copy changes nothing except your own understanding.
"""

import jax, jax.numpy as jnp
import numpy as np

N_NODES = 10000
D_IN = 128
D_HIDDEN = 128
D_OUT = 1
N_EDGES = 320000


def _glorot(key, shape):
    fan_in, fan_out = shape[0], shape[1]
    limit = jnp.sqrt(6.0 / (fan_in + fan_out))
    return jax.random.uniform(key, shape, dtype=jnp.float32, minval=-limit, maxval=limit)


def setup_inputs(seed: int = 0) -> dict:
    key = jax.random.key(seed)
    k_x, k_ei, k_w1, k_w2 = jax.random.split(key, 4)
    x = jax.random.normal(k_x, (N_NODES, D_IN), dtype=jnp.float32)
    edge_index = jax.random.randint(k_ei, (2, N_EDGES), 0, N_NODES, dtype=jnp.int64)
    W1 = _glorot(k_w1, (D_IN, D_HIDDEN))
    b1 = jnp.zeros((D_HIDDEN,), dtype=jnp.float32)
    W2 = _glorot(k_w2, (D_HIDDEN, D_OUT))
    b2 = jnp.zeros((D_OUT,), dtype=jnp.float32)
    return {"x": x, "edge_index": edge_index, "W1": W1, "b1": b1, "W2": W2, "b2": b2}


def _gcn_conv(x, edge_index, W, b):
    # GCNConv with normalize=True and add_self_loops=True (PyG defaults)
    N = x.shape[0]
    loop = jnp.arange(N, dtype=edge_index.dtype)
    row = jnp.concatenate([edge_index[0], loop])  # source
    col = jnp.concatenate([edge_index[1], loop])  # target
    ones = jnp.ones(row.shape[0], dtype=x.dtype)
    deg = jax.ops.segment_sum(ones, col, num_segments=N)
    deg_inv_sqrt = jnp.where(deg > 0, jax.lax.rsqrt(jnp.maximum(deg, 1e-12)), 0.0)
    norm = deg_inv_sqrt[row] * deg_inv_sqrt[col]
    xw = x @ W
    msg = xw[row] * norm[:, None]
    out = jax.ops.segment_sum(msg, col, num_segments=N)
    return out + b


def reference(x, edge_index, W1, b1, W2, b2):
    h = _gcn_conv(x, edge_index, W1, b1)
    h = jax.nn.relu(h)
    # dropout is identity in eval mode (training=self.training)
    out = _gcn_conv(h, edge_index, W2, b2)
    return out

if __name__ == "__main__":
    import jax
    _d = setup_inputs()
    print(jax.jit(kernel)(*tuple(_d.values())))

</pallas_src>

<mosaic_0001>
#map = affine_map<(d0, d1) -> (0)>
#map1 = affine_map<(d0, d1) -> (0, 0)>
module attributes {stable_mosaic.version = 14 : i64} {
  func.func @_deg_hist(%arg0: i32, %arg1: i32, %arg2: memref<320000xi32, #tpu.memory_space<hbm>>, %arg3: memref<32x10240xf32, #tpu.memory_space<hbm>>, %arg4: memref<10000xi32, #tpu.memory_space<vmem>>, %arg5: memref<10240xf32, #tpu.memory_space<vmem>>) attributes {dimension_semantics = [#tpu.dimension_semantics<core_parallel>, #tpu.dimension_semantics<subcore_parallel>], iteration_bounds = array<i64: 2, 16>, scalar_prefetch = 0 : i64, scratch_operands = 2 : i64, tpu.core_type = #tpu.core_type<sc_vector_subcore>, window_params = [{transform_indices = #map}, {transform_indices = #map1}]} {
    %mul3A = arith.constant 2 : i32
    %mul3A_0 = arith.muli %arg1, %mul3A : i32
    %add3A = arith.addi %mul3A_0, %arg0 : i32
    %broadcast_in_dim3A = arith.constant 0.000000e+00 : f32
    %broadcast_in_dim3A_1 = vector.broadcast %broadcast_in_dim3A : f32 to vector<16xf32>
    %broadcast_in_dim3A_2 = arith.constant 1.000000e+00 : f32
    %broadcast_in_dim3A_3 = vector.broadcast %broadcast_in_dim3A_2 : f32 to vector<16xf32>
    %scan3A = arith.constant 0 : i32
    %scan3A_4 = arith.constant 640 : i32
    %scan3A_5 = arith.addi %scan3A, %scan3A_4 : i32
    %scan3A_6 = arith.constant 1 : i32
    scf.for %scan3A_15 = %scan3A to %scan3A_5 step %scan3A_6  : i32 {
      %mul3A_16 = arith.constant 16 : i32
      %mul3A_17 = arith.muli %scan3A_15, %mul3A_16 : i32
      %add3A_18 = arith.constant 0 : i32
      %add3A_19 = arith.addi %add3A_18, %mul3A_17 : i32
      %swap3A = arith.index_cast %add3A_19 : i32 to index
      %swap3A_20 = tpu.vector_load %arg5[%swap3A] {strides = array<i32>} : memref<10240xf32, #tpu.memory_space<vmem>>, vector<16xf32>,
      tpu.vector_store %arg5[%swap3A], %broadcast_in_dim3A_1 {strides = array<i32>} : memref<10240xf32, #tpu.memory_space<vmem>>, vector<16xf32>,
    }
    %scan3A_7 = arith.constant 640 : i32
    %mul3A_8 = arith.constant 10000 : i32
    %mul3A_9 = arith.muli %add3A, %mul3A_8 : i32
    "tpu.region"() ({
      %run_scoped3A = tpu.sem_alloc : memref<!tpu.dma_semaphore, #tpu.memory_space<semaphore_mem>>
      %dma_start3A = tpu.memref_slice %arg2[%mul3A_9] : memref<320000xi32, #tpu.memory_space<hbm>> -> memref<10000xi32, #tpu.memory_space<hbm>>
      %dma_start3A_15 = tpu.memref_slice %arg2[%mul3A_9] : memref<320000xi32, #tpu.memory_space<hbm>> -> memref<10000xi32, #tpu.memory_space<hbm>>
      tpu.enqueue_dma source(%dma_start3A_15 : memref<10000xi32, #tpu.memory_space<hbm>>) target(%arg4 : memref<10000xi32, #tpu.memory_space<vmem>>) target_semaphore(%run_scoped3A : memref<!tpu.dma_semaphore, #tpu.memory_space<semaphore_mem>>)
      %dma_wait3A = tpu.memref_slice %arg2[%mul3A_9] : memref<320000xi32, #tpu.memory_space<hbm>> -> memref<10000xi32, #tpu.memory_space<hbm>>
      %dma_wait3A_16 = tpu.memref_slice %arg2[%mul3A_9] : memref<320000xi32, #tpu.memory_space<hbm>> -> memref<10000xi32, #tpu.memory_space<hbm>>
      tpu.wait_dma2 semaphore(%run_scoped3A : memref<!tpu.dma_semaphore, #tpu.memory_space<semaphore_mem>>) src(%dma_wait3A_16 : memref<10000xi32, #tpu.memory_space<hbm>>) dst(%arg4 : memref<10000xi32, #tpu.memory_space<vmem>>)
      tpu.yield
    }) : () -> ()
    %scan3A_10 = arith.constant 0 : i32
    %scan3A_11 = arith.constant 625 : i32
    %scan3A_12 = arith.addi %scan3A_10, %scan3A_11 : i32
    %scan3A_13 = arith.constant 1 : i32
    scf.for %scan3A_15 = %scan3A_10 to %scan3A_12 step %scan3A_13  : i32 {
      %mul3A_16 = arith.constant 16 : i32
      %mul3A_17 = arith.muli %scan3A_15, %mul3A_16 : i32
      %add3A_18 = arith.constant 0 : i32
      %add3A_19 = arith.addi %add3A_18, %mul3A_17 : i32
      %get3A = arith.index_cast %add3A_19 : i32 to index
      %get3A_20 = tpu.vector_load %arg4[%get3A] {strides = array<i32>} : memref<10000xi32, #tpu.memory_space<vmem>>, vector<16xi32>,
      tpu.vector_store_idx %arg5[%get3A_20], %broadcast_in_dim3A_3 {add = true} : memref<10240xf32, #tpu.memory_space<vmem>>[vector<16xi32>], vector<16xf32>,
    }
    %scan3A_14 = arith.constant 625 : i32
    "tpu.region"() ({
      %run_scoped3A = tpu.sem_alloc : memref<!tpu.dma_semaphore, #tpu.memory_space<semaphore_mem>>
      %dma_start3A = arith.constant 0 : i32
      %dma_start3A_15 = tpu.memref_slice %arg3[%add3A, %dma_start3A] : memref<32x10240xf32, #tpu.memory_space<hbm>> -> memref<1x10240xf32, #tpu.memory_space<hbm>>
      %dma_start3A_16 = tpu.memref_squeeze %dma_start3A_15 : memref<1x10240xf32, #tpu.memory_space<hbm>> -> memref<10240xf32, #tpu.memory_space<hbm>>
      %dma_start3A_17 = arith.constant 0 : i32
      %dma_start3A_18 = tpu.memref_slice %arg3[%add3A, %dma_start3A_17] : memref<32x10240xf32, #tpu.memory_space<hbm>> -> memref<1x10240xf32, #tpu.memory_space<hbm>>
      %dma_start3A_19 = tpu.memref_squeeze %dma_start3A_18 : memref<1x10240xf32, #tpu.memory_space<hbm>> -> memref<10240xf32, #tpu.memory_space<hbm>>
      tpu.enqueue_dma source(%arg5 : memref<10240xf32, #tpu.memory_space<vmem>>) target(%dma_start3A_19 : memref<10240xf32, #tpu.memory_space<hbm>>) target_semaphore(%run_scoped3A : memref<!tpu.dma_semaphore, #tpu.memory_space<semaphore_mem>>)
      %dma_wait3A = arith.constant 0 : i32
      %dma_wait3A_20 = tpu.memref_slice %arg3[%add3A, %dma_wait3A] : memref<32x10240xf32, #tpu.memory_space<hbm>> -> memref<1x10240xf32, #tpu.memory_space<hbm>>
      %dma_wait3A_21 = tpu.memref_squeeze %dma_wait3A_20 : memref<1x10240xf32, #tpu.memory_space<hbm>> -> memref<10240xf32, #tpu.memory_space<hbm>>
      %dma_wait3A_22 = arith.constant 0 : i32
      %dma_wait3A_23 = tpu.memref_slice %arg3[%add3A, %dma_wait3A_22] : memref<32x10240xf32, #tpu.memory_space<hbm>> -> memref<1x10240xf32, #tpu.memory_space<hbm>>
      %dma_wait3A_24 = tpu.memref_squeeze %dma_wait3A_23 : memref<1x10240xf32, #tpu.memory_space<hbm>> -> memref<10240xf32, #tpu.memory_space<hbm>>
      tpu.wait_dma2 semaphore(%run_scoped3A : memref<!tpu.dma_semaphore, #tpu.memory_space<semaphore_mem>>) src(%arg5 : memref<10240xf32, #tpu.memory_space<vmem>>) dst(%dma_wait3A_24 : memref<10240xf32, #tpu.memory_space<hbm>>)
      tpu.yield
    }) : () -> ()
    return
  }
}

#map = affine_map<(d0, d1) -> (0)>
#map1 = affine_map<(d0, d1) -> (0, 0, 0)>
#map2 = affine_map<(d0, d1) -> (0, 0)>
module attributes {stable_mosaic.version = 14 : i64} {
  func.func @_prop1(%arg0: i32, %arg1: i32, %arg2: memref<322560xi32, #tpu.memory_space<hbm>>, %arg3: memref<32x105x96xi32, #tpu.memory_space<hbm>>, %arg4: memref<10240x128xf32, #tpu.memory_space<hbm>>, %arg5: memref<2x10240x128xf32, #tpu.memory_space<hbm>>, %arg6: memref<10080xi32, #tpu.memory_space<vmem>>, %arg7: memref<105x96xi32, #tpu.memory_space<vmem>>, %arg8: memref<2x96x128xf32, #tpu.memory_space<vmem>>, %arg9: memref<10240x128xf32, #tpu.memory_space<vmem_shared>>, %arg10: memref<!tpu.dma_semaphore, #tpu.memory_space<semaphore_mem>>, %arg11: memref<!tpu.dma_semaphore, #tpu.memory_space<semaphore_mem>>) attributes {dimension_semantics = [#tpu.dimension_semantics<core_parallel>, #tpu.dimension_semantics<subcore_parallel>], iteration_bounds = array<i64: 2, 16>, scalar_prefetch = 0 : i64, scratch_operands = 6 : i64, tpu.core_type = #tpu.core_type<sc_vector_subcore>, window_params = [{transform_indices = #map}, {transform_indices = #map1}, {transform_indices = #map2}, {transform_indices = #map1}]} {
    %mul3A = arith.constant 2 : i32
    %mul3A_0 = arith.muli %arg1, %mul3A : i32
    %add3A = arith.addi %mul3A_0, %arg0 : i32
    %broadcast_in_dim3A = arith.constant 0.000000e+00 : f32
    %broadcast_in_dim3A_1 = vector.broadcast %broadcast_in_dim3A : f32 to vector<16xf32>
    %scan3A = arith.constant 0 : i32
    %scan3A_2 = arith.constant 64 : i32
    %scan3A_3 = arith.addi %scan3A, %scan3A_2 : i32
    %scan3A_4 = arith.constant 1 : i32
    scf.for %scan3A_42 = %scan3A to %scan3A_3 step %scan3A_4  : i32 {
      %mul3A_43 = arith.constant 1 : i32
      %mul3A_44 = arith.muli %scan3A_42, %mul3A_43 : i32
      %add3A_45 = arith.constant 0 : i32
      %add3A_46 = arith.addi %add3A_45, %mul3A_44 : i32
      %scan3A_47 = arith.constant 0 : i32
      %scan3A_48 = arith.constant 8 : i32
      %scan3A_49 = arith.addi %scan3A_47, %scan3A_48 : i32
      %scan3A_50 = arith.constant 1 : i32
      scf.for %scan3A_52 = %scan3A_47 to %scan3A_49 step %scan3A_50  : i32 {
        %mul3A_53 = arith.constant 16 : i32
        %mul3A_54 = arith.muli %scan3A_52, %mul3A_53 : i32
        %add3A_55 = arith.constant 0 : i32
        %add3A_56 = arith.addi %add3A_55, %mul3A_54 : i32
        %swap3A = arith.constant 0 : i32
        %swap3A_57 = arith.index_cast %swap3A : i32 to index
        %swap3A_58 = arith.index_cast %add3A_46 : i32 to index
        %swap3A_59 = arith.index_cast %add3A_56 : i32 to index
        %swap3A_60 = tpu.vector_load %arg8[%swap3A_57, %swap3A_58, %swap3A_59] {strides = array<i32>} : memref<2x96x128xf32, #tpu.memory_space<vmem>>, vector<1x1x16xf32>,
        %swap3A_61 = vector.shape_cast %swap3A_60 : vector<1x1x16xf32> to vector<16xf32>
        %swap3A_62 = vector.shape_cast %broadcast_in_dim3A_1 : vector<16xf32> to vector<1x1x16xf32>
        tpu.vector_store %arg8[%swap3A_57, %swap3A_58, %swap3A_59], %swap3A_62 {strides = array<i32>} : memref<2x96x128xf32, #tpu.memory_space<vmem>>, vector<1x1x16xf32>,
      }
      %scan3A_51 = arith.constant 8 : i32
    }
    %scan3A_5 = arith.constant 64 : i32
    %scan3A_6 = arith.constant 0 : i32
    %scan3A_7 = arith.constant 10 : i32
    %scan3A_8 = arith.addi %scan3A_6, %scan3A_7 : i32
    %scan3A_9 = arith.constant 1 : i32
    scf.for %scan3A_42 = %scan3A_6 to %scan3A_8 step %scan3A_9  : i32 {
      %mul3A_43 = arith.constant 64 : i32
      %mul3A_44 = arith.muli %scan3A_42, %mul3A_43 : i32
      %add3A_45 = arith.constant 0 : i32
      %add3A_46 = arith.addi %add3A_45, %mul3A_44 : i32
      %mul3A_47 = arith.constant 640 : i32
      %mul3A_48 = arith.muli %arg1, %mul3A_47 : i32
      %add3A_49 = arith.addi %mul3A_48, %add3A_46 : i32
      %run_scoped3A_50 = arith.constant 0 : i32
      "tpu.region"() ({
        %run_scoped3A_51 = tpu.sem_alloc : memref<!tpu.dma_semaphore, #tpu.memory_space<semaphore_mem>>
        %dma_start3A_52 = arith.constant 0 : i32
        %dma_start3A_53 = arith.constant 0 : i32
        %dma_start3A_54 = tpu.memref_slice %arg8[%run_scoped3A_50, %dma_start3A_52, %dma_start3A_53] : memref<2x96x128xf32, #tpu.memory_space<vmem>> -> memref<1x64x128xf32, #tpu.memory_space<vmem>>
        %dma_start3A_55 = tpu.memref_squeeze %dma_start3A_54 : memref<1x64x128xf32, #tpu.memory_space<vmem>> -> memref<64x128xf32, #tpu.memory_space<vmem>>
        %dma_start3A_56 = arith.constant 0 : i32
        %dma_start3A_57 = tpu.memref_slice %arg9[%add3A_49, %dma_start3A_56] : memref<10240x128xf32, #tpu.memory_space<vmem_shared>> -> memref<64x128xf32, #tpu.memory_space<vmem_shared>>
        %dma_start3A_58 = arith.constant 0 : i32
        %dma_start3A_59 = tpu.memref_slice %arg9[%add3A_49, %dma_start3A_58] : memref<10240x128xf32, #tpu.memory_space<vmem_shared>> -> memref<64x128xf32, #tpu.memory_space<vmem_shared>>
        %dma_start3A_60 = arith.constant 0 : i32
        %dma_start3A_61 = arith.constant 0 : i32
        %dma_start3A_62 = tpu.memref_slice %arg8[%run_scoped3A_50, %dma_start3A_60, %dma_start3A_61] : memref<2x96x128xf32, #tpu.memory_space<vmem>> -> memref<1x64x128xf32, #tpu.memory_space<vmem>>
        %dma_start3A_63 = tpu.memref_squeeze %dma_start3A_62 : memref<1x64x128xf32, #tpu.memory_space<vmem>> -> memref<64x128xf32, #tpu.memory_space<vmem>>
        tpu.enqueue_dma source(%dma_start3A_63 : memref<64x128xf32, #tpu.memory_space<vmem>>) target(%dma_start3A_59 : memref<64x128xf32, #tpu.memory_space<vmem_shared>>) target_semaphore(%run_scoped3A_51 : memref<!tpu.dma_semaphore, #tpu.memory_space<semaphore_mem>>)
        %dma_wait3A_64 = arith.constant 0 : i32
        %dma_wait3A_65 = arith.constant 0 : i32
        %dma_wait3A_66 = tpu.memref_slice %arg8[%run_scoped3A_50, %dma_wait3A_64, %dma_wait3A_65] : memref<2x96x128xf32, #tpu.memory_space<vmem>> -> memref<1x64x128xf32, #tpu.memory_space<vmem>>
        %dma_wait3A_67 = tpu.memref_squeeze %dma_wait3A_66 : memref<1x64x128xf32, #tpu.memory_space<vmem>> -> memref<64x128xf32, #tpu.memory_space<vmem>>
        %dma_wait3A_68 = arith.constant 0 : i32
        %dma_wait3A_69 = tpu.memref_slice %arg9[%add3A_49, %dma_wait3A_68] : memref<10240x128xf32, #tpu.memory_space<vmem_shared>> -> memref<64x128xf32, #tpu.memory_space<vmem_shared>>
        %dma_wait3A_70 = arith.constant 0 : i32
        %dma_wait3A_71 = tpu.memref_slice %arg9[%add3A_49, %dma_wait3A_70] : memref<10240x128xf32, #tpu.memory_space<vmem_shared>> -> memref<64x128xf32, #tpu.memory_space<vmem_shared>>
        %dma_wait3A_72 = arith.constant 0 : i32
        %dma_wait3A_73 = arith.constant 0 : i32
        %dma_wait3A_74 = tpu.memref_slice %arg8[%run_scoped3A_50, %dma_wait3A_72, %dma_wait3A_73] : memref<2x96x128xf32, #tpu.memory_space<vmem>> -> memref<1x64x128xf32, #tpu.memory_space<vmem>>
        %dma_wait3A_75 = tpu.memref_squeeze %dma_wait3A_74 : memref<1x64x128xf32, #tpu.memory_space<vmem>> -> memref<64x128xf32, #tpu.memory_space<vmem>>
        tpu.wait_dma2 semaphore(%run_scoped3A_51 : memref<!tpu.dma_semaphore, #tpu.memory_space<semaphore_mem>>) src(%dma_wait3A_75 : memref<64x128xf32, #tpu.memory_space<vmem>>) dst(%dma_wait3A_71 : memref<64x128xf32, #tpu.memory_space<vmem_shared>>)
        tpu.yield
      }) : () -> ()
    }
    %scan3A_10 = arith.constant 10 : i32
    %mul3A_11 = arith.constant 10080 : i32
    %mul3A_12 = arith.muli %add3A, %mul3A_11 : i32
    "tpu.region"() ({
      %run_scoped3A_42 = tpu.sem_alloc : memref<!tpu.dma_semaphore, #tpu.memory_space<semaphore_mem>>
      %dma_start3A_43 = tpu.memref_slice %arg2[%mul3A_12] : memref<322560xi32, #tpu.memory_space<hbm>> -> memref<10080xi32, #tpu.memory_space<hbm>>
      %dma_start3A_44 = tpu.memref_slice %arg2[%mul3A_12] : memref<322560xi32, #tpu.memory_space<hbm>> -> memref<10080xi32, #tpu.memory_space<hbm>>
      tpu.enqueue_dma source(%dma_start3A_44 : memref<10080xi32, #tpu.memory_space<hbm>>) target(%arg6 : memref<10080xi32, #tpu.memory_space<vmem>>) target_semaphore(%run_scoped3A_42 : memref<!tpu.dma_semaphore, #tpu.memory_space<semaphore_mem>>)
      %dma_wait3A_45 = tpu.memref_slice %arg2[%mul3A_12] : memref<322560xi32, #tpu.memory_space<hbm>> -> memref<10080xi32, #tpu.memory_space<hbm>>
      %dma_wait3A_46 = tpu.memref_slice %arg2[%mul3A_12] : memref<322560xi32, #tpu.memory_space<hbm>> -> memref<10080xi32, #tpu.memory_space<hbm>>
      tpu.wait_dma2 semaphore(%run_scoped3A_42 : memref<!tpu.dma_semaphore, #tpu.memory_space<semaphore_mem>>) src(%dma_wait3A_46 : memref<10080xi32, #tpu.memory_space<hbm>>) dst(%arg6 : memref<10080xi32, #tpu.memory_space<vmem>>)
      tpu.yield
    }) : () -> ()
    "tpu.region"() ({
      %run_scoped3A_42 = tpu.sem_alloc : memref<!tpu.dma_semaphore, #tpu.memory_space<semaphore_mem>>
      %dma_start3A_43 = arith.constant 0 : i32
      %dma_start3A_44 = arith.constant 0 : i32
      %dma_start3A_45 = tpu.memref_slice %arg3[%add3A, %dma_start3A_43, %dma_start3A_44] : memref<32x105x96xi32, #tpu.memory_space<hbm>> -> memref<1x105x96xi32, #tpu.memory_space<hbm>>
      %dma_start3A_46 = tpu.memref_squeeze %dma_start3A_45 : memref<1x105x96xi32, #tpu.memory_space<hbm>> -> memref<105x96xi32, #tpu.memory_space<hbm>>
      %dma_start3A_47 = arith.constant 0 : i32
      %dma_start3A_48 = arith.constant 0 : i32
      %dma_start3A_49 = tpu.memref_slice %arg3[%add3A, %dma_start3A_47, %dma_start3A_48] : memref<32x105x96xi32, #tpu.memory_space<hbm>> -> memref<1x105x96xi32, #tpu.memory_space<hbm>>
      %dma_start3A_50 = tpu.memref_squeeze %dma_start3A_49 : memref<1x105x96xi32, #tpu.memory_space<hbm>> -> memref<105x96xi32, #tpu.memory_space<hbm>>
      tpu.enqueue_dma source(%dma_start3A_50 : memref<105x96xi32, #tpu.memory_space<hbm>>) target(%arg7 : memref<105x96xi32, #tpu.memory_space<vmem>>) target_semaphore(%run_scoped3A_42 : memref<!tpu.dma_semaphore, #tpu.memory_space<semaphore_mem>>)
      %dma_wait3A_51 = arith.constant 0 : i32
      %dma_wait3A_52 = arith.constant 0 : i32
      %dma_wait3A_53 = tpu.memref_slice %arg3[%add3A, %dma_wait3A_51, %dma_wait3A_52] : memref<32x105x96xi32, #tpu.memory_space<hbm>> -> memref<1x105x96xi32, #tpu.memory_space<hbm>>
      %dma_wait3A_54 = tpu.memref_squeeze %dma_wait3A_53 : memref<1x105x96xi32, #tpu.memory_space<hbm>> -> memref<105x96xi32, #tpu.memory_space<hbm>>
      %dma_wait3A_55 = arith.constant 0 : i32
      %dma_wait3A_56 = arith.constant 0 : i32
      %dma_wait3A_57 = tpu.memref_slice %arg3[%add3A, %dma_wait3A_55, %dma_wait3A_56] : memref<32x105x96xi32, #tpu.memory_space<hbm>> -> memref<1x105x96xi32, #tpu.memory_space<hbm>>
      %dma_wait3A_58 = tpu.memref_squeeze %dma_wait3A_57 : memref<1x105x96xi32, #tpu.memory_space<hbm>> -> memref<105x96xi32, #tpu.memory_space<hbm>>
      tpu.wait_dma2 semaphore(%run_scoped3A_42 : memref<!tpu.dma_semaphore, #tpu.memory_space<semaphore_mem>>) src(%dma_wait3A_58 : memref<105x96xi32, #tpu.memory_space<hbm>>) dst(%arg7 : memref<105x96xi32, #tpu.memory_space<vmem>>)
      tpu.yield
    }) : () -> ()
    %barrier3A = arith.constant 0 : index
    tpu.barrier barrier_id(%barrier3A)
    %dma_start3A = arith.constant 0 : i32
    %dma_start3A_13 = arith.constant 0 : i32
    %dma_start3A_14 = arith.constant 0 : i32
    %dma_start3A_15 = tpu.memref_slice %arg8[%dma_start3A, %dma_start3A_13, %dma_start3A_14] : memref<2x96x128xf32, #tpu.memory_space<vmem>> -> memref<1x96x128xf32, #tpu.memory_space<vmem>>
    %dma_start3A_16 = tpu.memref_squeeze %dma_start3A_15 : memref<1x96x128xf32, #tpu.memory_space<vmem>> -> memref<96x128xf32, #tpu.memory_space<vmem>>
    %dma_start3A_17 = arith.constant 0 : i32
    %dma_start3A_18 = tpu.memref_slice %arg6[%dma_start3A_17] : memref<10080xi32, #tpu.memory_space<vmem>> -> memref<96xi32, #tpu.memory_space<vmem>>
    %dma_start3A_19 = arith.constant 0 : i32
    %dma_start3A_20 = arith.constant 0 : i32
    %dma_start3A_21 = tpu.memref_slice %arg4[%dma_start3A_19, %dma_start3A_20] : memref<10240x128xf32, #tpu.memory_space<hbm>> -> memref<10240x128xf32, #tpu.memory_space<hbm>>
    tpu.enqueue_indirect_dma source(%dma_start3A_21 : memref<10240x128xf32, #tpu.memory_space<hbm>>) target(%dma_start3A_16 : memref<96x128xf32, #tpu.memory_space<vmem>>) offsets(%dma_start3A_18 : memref<96xi32, #tpu.memory_space<vmem>>) semaphore(%arg10 : memref<!tpu.dma_semaphore, #tpu.memory_space<semaphore_mem>>)
    %scan3A_22 = arith.constant 0 : i32
    %scan3A_23 = arith.constant 52 : i32
    %scan3A_24 = arith.addi %scan3A_22, %scan3A_23 : i32
    %scan3A_25 = arith.constant 1 : i32
    scf.for %scan3A_42 = %scan3A_22 to %scan3A_24 step %scan3A_25  : i32 {
      %mul3A_43 = arith.constant 2 : i32
      %mul3A_44 = arith.muli %scan3A_42, %mul3A_43 : i32
      %add3A_45 = arith.constant 0 : i32
      %add3A_46 = arith.addi %add3A_45, %mul3A_44 : i32
      %add3A_47 = arith.constant 1 : i32
      %add3A_48 = arith.addi %add3A_46, %add3A_47 : i32
      %mul3A_49 = arith.constant 96 : i32
      %mul3A_50 = arith.muli %add3A_48, %mul3A_49 : i32
      %dma_start3A_51 = arith.constant 1 : i32
      %dma_start3A_52 = arith.constant 0 : i32
      %dma_start3A_53 = arith.constant 0 : i32
      %dma_start3A_54 = tpu.memref_slice %arg8[%dma_start3A_51, %dma_start3A_52, %dma_start3A_53] : memref<2x96x128xf32, #tpu.memory_space<vmem>> -> memref<1x96x128xf32, #tpu.memory_space<vmem>>
      %dma_start3A_55 = tpu.memref_squeeze %dma_start3A_54 : memref<1x96x128xf32, #tpu.memory_space<vmem>> -> memref<96x128xf32, #tpu.memory_space<vmem>>
      %dma_start3A_56 = tpu.memref_slice %arg6[%mul3A_50] : memref<10080xi32, #tpu.memory_space<vmem>> -> memref<96xi32, #tpu.memory_space<vmem>>
      %dma_start3A_57 = arith.constant 0 : i32
      %dma_start3A_58 = arith.constant 0 : i32
      %dma_start3A_59 = tpu.memref_slice %arg4[%dma_start3A_57, %dma_start3A_58] : memref<10240x128xf32, #tpu.memory_space<hbm>> -> memref<10240x128xf32, #tpu.memory_space<hbm>>
      tpu.enqueue_indirect_dma source(%dma_start3A_59 : memref<10240x128xf32, #tpu.memory_space<hbm>>) target(%dma_start3A_55 : memref<96x128xf32, #tpu.memory_space<vmem>>) offsets(%dma_start3A_56 : memref<96xi32, #tpu.memory_space<vmem>>) semaphore(%arg11 : memref<!tpu.dma_semaphore, #tpu.memory_space<semaphore_mem>>)
      %mul3A_60 = arith.constant 96 : i32
      %mul3A_61 = arith.muli %add3A_46, %mul3A_60 : i32
      %dma_wait3A_62 = arith.constant 0 : i32
      %dma_wait3A_63 = arith.constant 0 : i32
      %dma_wait3A_64 = arith.constant 0 : i32
      %dma_wait3A_65 = tpu.memref_slice %arg8[%dma_wait3A_62, %dma_wait3A_63, %dma_wait3A_64] : memref<2x96x128xf32, #tpu.memory_space<vmem>> -> memref<1x96x128xf32, #tpu.memory_space<vmem>>
      %dma_wait3A_66 = tpu.memref_squeeze %dma_wait3A_65 : memref<1x96x128xf32, #tpu.memory_space<vmem>> -> memref<96x128xf32, #tpu.memory_space<vmem>>
      %dma_wait3A_67 = tpu.memref_slice %arg6[%mul3A_61] : memref<10080xi32, #tpu.memory_space<vmem>> -> memref<96xi32, #tpu.memory_space<vmem>>
      %dma_wait3A_68 = arith.constant 0 : i32
      %dma_wait3A_69 = arith.constant 0 : i32
      %dma_wait3A_70 = tpu.memref_slice %arg4[%dma_wait3A_68, %dma_wait3A_69] : memref<10240x128xf32, #tpu.memory_space<hbm>> -> memref<10240x128xf32, #tpu.memory_space<hbm>>
      tpu.wait_indirect_dma semaphore(%arg10 : memref<!tpu.dma_semaphore, #tpu.memory_space<semaphore_mem>>) src(%dma_wait3A_70 : memref<10240x128xf32, #tpu.memory_space<hbm>>) dst(%dma_wait3A_66 : memref<96x128xf32, #tpu.memory_space<vmem>>)
      %run_scoped3A_71 = arith.constant 0 : i32
      "tpu.region"() ({
        %run_scoped3A_99 = tpu.sem_alloc : memref<!tpu.dma_semaphore, #tpu.memory_space<semaphore_mem>>
        %dma_start3A_100 = arith.constant 0 : i32
        %dma_start3A_101 = arith.constant 0 : i32
        %dma_start3A_102 = tpu.memref_slice %arg8[%run_scoped3A_71, %dma_start3A_100, %dma_start3A_101] : memref<2x96x128xf32, #tpu.memory_space<vmem>> -> memref<1x96x128xf32, #tpu.memory_space<vmem>>
        %dma_start3A_103 = tpu.memref_squeeze %dma_start3A_102 : memref<1x96x128xf32, #tpu.memory_space<vmem>> -> memref<96x128xf32, #tpu.memory_space<vmem>>
        %dma_start3A_104 = arith.constant 0 : i32
        %dma_start3A_105 = tpu.memref_slice %arg7[%add3A_46, %dma_start3A_104] : memref<105x96xi32, #tpu.memory_space<vmem>> -> memref<1x96xi32, #tpu.memory_space<vmem>>
        %dma_start3A_106 = tpu.memref_squeeze %dma_start3A_105 : memref<1x96xi32, #tpu.memory_space<vmem>> -> memref<96xi32, #tpu.memory_space<vmem>>
        %dma_start3A_107 = arith.constant 0 : i32
        %dma_start3A_108 = arith.constant 0 : i32
        %dma_start3A_109 = tpu.memref_slice %arg9[%dma_start3A_107, %dma_start3A_108] : memref<10240x128xf32, #tpu.memory_space<vmem_shared>> -> memref<10240x128xf32, #tpu.memory_space<vmem_shared>>
        tpu.enqueue_indirect_dma source(%dma_start3A_103 : memref<96x128xf32, #tpu.memory_space<vmem>>) target(%dma_start3A_109 : memref<10240x128xf32, #tpu.memory_space<vmem_shared>>) offsets(%dma_start3A_106 : memref<96xi32, #tpu.memory_space<vmem>>) semaphore(%run_scoped3A_99 : memref<!tpu.dma_semaphore, #tpu.memory_space<semaphore_mem>>) {add = true}
        %dma_wait3A_110 = arith.constant 0 : i32
        %dma_wait3A_111 = arith.constant 0 : i32
        %dma_wait3A_112 = tpu.memref_slice %arg8[%run_scoped3A_71, %dma_wait3A_110, %dma_wait3A_111] : memref<2x96x128xf32, #tpu.memory_space<vmem>> -> memref<1x96x128xf32, #tpu.memory_space<vmem>>
        %dma_wait3A_113 = tpu.memref_squeeze %dma_wait3A_112 : memref<1x96x128xf32, #tpu.memory_space<vmem>> -> memref<96x128xf32, #tpu.memory_space<vmem>>
        %dma_wait3A_114 = arith.constant 0 : i32
        %dma_wait3A_115 = tpu.memref_slice %arg7[%add3A_46, %dma_wait3A_114] : memref<105x96xi32, #tpu.memory_space<vmem>> -> memref<1x96xi32, #tpu.memory_space<vmem>>
        %dma_wait3A_116 = tpu.memref_squeeze %dma_wait3A_115 : memref<1x96xi32, #tpu.memory_space<vmem>> -> memref<96xi32, #tpu.memory_space<vmem>>
        %dma_wait3A_117 = arith.constant 0 : i32
        %dma_wait3A_118 = arith.constant 0 : i32
        %dma_wait3A_119 = tpu.memref_slice %arg9[%dma_wait3A_117, %dma_wait3A_118] : memref<10240x128xf32, #tpu.memory_space<vmem_shared>> -> memref<10240x128xf32, #tpu.memory_space<vmem_shared>>
        tpu.wait_indirect_dma semaphore(%run_scoped3A_99 : memref<!tpu.dma_semaphore, #tpu.memory_space<semaphore_mem>>) src(%dma_wait3A_113 : memref<96x128xf32, #tpu.memory_space<vmem>>) dst(%dma_wait3A_119 : memref<10240x128xf32, #tpu.memory_space<vmem_shared>>)
        tpu.yield
      }) : () -> ()
      %add3A_72 = arith.constant 2 : i32
      %add3A_73 = arith.addi %add3A_46, %add3A_72 : i32
      %mul3A_74 = arith.constant 96 : i32
      %mul3A_75 = arith.muli %add3A_73, %mul3A_74 : i32
      %dma_start3A_76 = arith.constant 0 : i32
      %dma_start3A_77 = arith.constant 0 : i32
      %dma_start3A_78 = arith.constant 0 : i32
      %dma_start3A_79 = tpu.memref_slice %arg8[%dma_start3A_76, %dma_start3A_77, %dma_start3A_78] : memref<2x96x128xf32, #tpu.memory_space<vmem>> -> memref<1x96x128xf32, #tpu.memory_space<vmem>>
      %dma_start3A_80 = tpu.memref_squeeze %dma_start3A_79 : memref<1x96x128xf32, #tpu.memory_space<vmem>> -> memref<96x128xf32, #tpu.memory_space<vmem>>
      %dma_start3A_81 = tpu.memref_slice %arg6[%mul3A_75] : memref<10080xi32, #tpu.memory_space<vmem>> -> memref<96xi32, #tpu.memory_space<vmem>>
      %dma_start3A_82 = arith.constant 0 : i32
      %dma_start3A_83 = arith.constant 0 : i32
      %dma_start3A_84 = tpu.memref_slice %arg4[%dma_start3A_82, %dma_start3A_83] : memref<10240x128xf32, #tpu.memory_space<hbm>> -> memref<10240x128xf32, #tpu.memory_space<hbm>>
      tpu.enqueue_indirect_dma source(%dma_start3A_84 : memref<10240x128xf32, #tpu.memory_space<hbm>>) target(%dma_start3A_80 : memref<96x128xf32, #tpu.memory_space<vmem>>) offsets(%dma_start3A_81 : memref<96xi32, #tpu.memory_space<vmem>>) semaphore(%arg10 : memref<!tpu.dma_semaphore, #tpu.memory_space<semaphore_mem>>)
      %add3A_85 = arith.constant 1 : i32
      %add3A_86 = arith.addi %add3A_46, %add3A_85 : i32
      %mul3A_87 = arith.constant 96 : i32
      %mul3A_88 = arith.muli %add3A_86, %mul3A_87 : i32
      %dma_wait3A_89 = arith.constant 1 : i32
      %dma_wait3A_90 = arith.constant 0 : i32
      %dma_wait3A_91 = arith.constant 0 : i32
      %dma_wait3A_92 = tpu.memref_slice %arg8[%dma_wait3A_89, %dma_wait3A_90, %dma_wait3A_91] : memref<2x96x128xf32, #tpu.memory_space<vmem>> -> memref<1x96x128xf32, #tpu.memory_space<vmem>>
      %dma_wait3A_93 = tpu.memref_squeeze %dma_wait3A_92 : memref<1x96x128xf32, #tpu.memory_space<vmem>> -> memref<96x128xf32, #tpu.memory_space<vmem>>
      %dma_wait3A_94 = tpu.memref_slice %arg6[%mul3A_88] : memref<10080xi32, #tpu.memory_space<vmem>> -> memref<96xi32, #tpu.memory_space<vmem>>
      %dma_wait3A_95 = arith.constant 0 : i32
      %dma_wait3A_96 = arith.constant 0 : i32
      %dma_wait3A_97 = tpu.memref_slice %arg4[%dma_wait3A_95, %dma_wait3A_96] : memref<10240x128xf32, #tpu.memory_space<hbm>> -> memref<10240x128xf32, #tpu.memory_space<hbm>>
      tpu.wait_indirect_dma semaphore(%arg11 : memref<!tpu.dma_semaphore, #tpu.memory_space<semaphore_mem>>) src(%dma_wait3A_97 : memref<10240x128xf32, #tpu.memory_space<hbm>>) dst(%dma_wait3A_93 : memref<96x128xf32, #tpu.memory_space<vmem>>)
      %run_scoped3A_98 = arith.constant 1 : i32
      "tpu.region"() ({
        %run_scoped3A_99 = tpu.sem_alloc : memref<!tpu.dma_semaphore, #tpu.memory_space<semaphore_mem>>
        %dma_start3A_100 = arith.constant 0 : i32
        %dma_start3A_101 = arith.constant 0 : i32
        %dma_start3A_102 = tpu.memref_slice %arg8[%run_scoped3A_98, %dma_start3A_100, %dma_start3A_101] : memref<2x96x128xf32, #tpu.memory_space<vmem>> -> memref<1x96x128xf32, #tpu.memory_space<vmem>>
        %dma_start3A_103 = tpu.memref_squeeze %dma_start3A_102 : memref<1x96x128xf32, #tpu.memory_space<vmem>> -> memref<96x128xf32, #tpu.memory_space<vmem>>
        %dma_start3A_104 = arith.constant 0 : i32
        %dma_start3A_105 = tpu.memref_slice %arg7[%add3A_86, %dma_start3A_104] : memref<105x96xi32, #tpu.memory_space<vmem>> -> memref<1x96xi32, #tpu.memory_space<vmem>>
        %dma_start3A_106 = tpu.memref_squeeze %dma_start3A_105 : memref<1x96xi32, #tpu.memory_space<vmem>> -> memref<96xi32, #tpu.memory_space<vmem>>
        %dma_start3A_107 = arith.constant 0 : i32
        %dma_start3A_108 = arith.constant 0 : i32
        %dma_start3A_109 = tpu.memref_slice %arg9[%dma_start3A_107, %dma_start3A_108] : memref<10240x128xf32, #tpu.memory_space<vmem_shared>> -> memref<10240x128xf32, #tpu.memory_space<vmem_shared>>
        tpu.enqueue_indirect_dma source(%dma_start3A_103 : memref<96x128xf32, #tpu.memory_space<vmem>>) target(%dma_start3A_109 : memref<10240x128xf32, #tpu.memory_space<vmem_shared>>) offsets(%dma_start3A_106 : memref<96xi32, #tpu.memory_space<vmem>>) semaphore(%run_scoped3A_99 : memref<!tpu.dma_semaphore, #tpu.memory_space<semaphore_mem>>) {add = true}
        %dma_wait3A_110 = arith.constant 0 : i32
        %dma_wait3A_111 = arith.constant 0 : i32
        %dma_wait3A_112 = tpu.memref_slice %arg8[%run_scoped3A_98, %dma_wait3A_110, %dma_wait3A_111] : memref<2x96x128xf32, #tpu.memory_space<vmem>> -> memref<1x96x128xf32, #tpu.memory_space<vmem>>
        %dma_wait3A_113 = tpu.memref_squeeze %dma_wait3A_112 : memref<1x96x128xf32, #tpu.memory_space<vmem>> -> memref<96x128xf32, #tpu.memory_space<vmem>>
        %dma_wait3A_114 = arith.constant 0 : i32
        %dma_wait3A_115 = tpu.memref_slice %arg7[%add3A_86, %dma_wait3A_114] : memref<105x96xi32, #tpu.memory_space<vmem>> -> memref<1x96xi32, #tpu.memory_space<vmem>>
        %dma_wait3A_116 = tpu.memref_squeeze %dma_wait3A_115 : memref<1x96xi32, #tpu.memory_space<vmem>> -> memref<96xi32, #tpu.memory_space<vmem>>
        %dma_wait3A_117 = arith.constant 0 : i32
        %dma_wait3A_118 = arith.constant 0 : i32
        %dma_wait3A_119 = tpu.memref_slice %arg9[%dma_wait3A_117, %dma_wait3A_118] : memref<10240x128xf32, #tpu.memory_space<vmem_shared>> -> memref<10240x128xf32, #tpu.memory_space<vmem_shared>>
        tpu.wait_indirect_dma semaphore(%run_scoped3A_99 : memref<!tpu.dma_semaphore, #tpu.memory_space<semaphore_mem>>) src(%dma_wait3A_113 : memref<96x128xf32, #tpu.memory_space<vmem>>) dst(%dma_wait3A_119 : memref<10240x128xf32, #tpu.memory_space<vmem_shared>>)
        tpu.yield
      }) : () -> ()
    }
    %scan3A_26 = arith.constant 52 : i32
    %dma_wait3A = arith.constant 0 : i32
    %dma_wait3A_27 = arith.constant 0 : i32
    %dma_wait3A_28 = arith.constant 0 : i32
    %dma_wait3A_29 = tpu.memref_slice %arg8[%dma_wait3A, %dma_wait3A_27, %dma_wait3A_28] : memref<2x96x128xf32, #tpu.memory_space<vmem>> -> memref<1x96x128xf32, #tpu.memory_space<vmem>>
    %dma_wait3A_30 = tpu.memref_squeeze %dma_wait3A_29 : memref<1x96x128xf32, #tpu.memory_space<vmem>> -> memref<96x128xf32, #tpu.memory_space<vmem>>
    %dma_wait3A_31 = arith.constant 9984 : i32
    %dma_wait3A_32 = tpu.memref_slice %arg6[%dma_wait3A_31] : memref<10080xi32, #tpu.memory_space<vmem>> -> memref<96xi32, #tpu.memory_space<vmem>>
    %dma_wait3A_33 = arith.constant 0 : i32
    %dma_wait3A_34 = arith.constant 0 : i32
    %dma_wait3A_35 = tpu.memref_slice %arg4[%dma_wait3A_33, %dma_wait3A_34] : memref<10240x128xf32, #tpu.memory_space<hbm>> -> memref<10240x128xf32, #tpu.memory_space<hbm>>
    tpu.wait_indirect_dma semaphore(%arg10 : memref<!tpu.dma_semaphore, #tpu.memory_space<semaphore_mem>>) src(%dma_wait3A_35 : memref<10240x128xf32, #tpu.memory_space<hbm>>) dst(%dma_wait3A_30 : memref<96x128xf32, #tpu.memory_space<vmem>>)
    %run_scoped3A = arith.constant 0 : i32
    %run_scoped3A_36 = arith.constant 104 : i32
    "tpu.region"() ({
      %run_scoped3A_42 = tpu.sem_alloc : memref<!tpu.dma_semaphore, #tpu.memory_space<semaphore_mem>>
      %dma_start3A_43 = arith.constant 0 : i32
      %dma_start3A_44 = arith.constant 0 : i32
      %dma_start3A_45 = tpu.memref_slice %arg8[%run_scoped3A, %dma_start3A_43, %dma_start3A_44] : memref<2x96x128xf32, #tpu.memory_space<vmem>> -> memref<1x96x128xf32, #tpu.memory_space<vmem>>
      %dma_start3A_46 = tpu.memref_squeeze %dma_start3A_45 : memref<1x96x128xf32, #tpu.memory_space<vmem>> -> memref<96x128xf32, #tpu.memory_space<vmem>>
      %dma_start3A_47 = arith.constant 0 : i32
      %dma_start3A_48 = tpu.memref_slice %arg7[%run_scoped3A_36, %dma_start3A_47] : memref<105x96xi32, #tpu.memory_space<vmem>> -> memref<1x96xi32, #tpu.memory_space<vmem>>
      %dma_start3A_49 = tpu.memref_squeeze %dma_start3A_48 : memref<1x96xi32, #tpu.memory_space<vmem>> -> memref<96xi32, #tpu.memory_space<vmem>>
      %dma_start3A_50 = arith.constant 0 : i32
      %dma_start3A_51 = arith.constant 0 : i32
      %dma_start3A_52 = tpu.memref_slice %arg9[%dma_start3A_50, %dma_start3A_51] : memref<10240x128xf32, #tpu.memory_space<vmem_shared>> -> memref<10240x128xf32, #tpu.memory_space<vmem_shared>>
      tpu.enqueue_indirect_dma source(%dma_start3A_46 : memref<96x128xf32, #tpu.memory_space<vmem>>) target(%dma_start3A_52 : memref<10240x128xf32, #tpu.memory_space<vmem_shared>>) offsets(%dma_start3A_49 : memref<96xi32, #tpu.memory_space<vmem>>) semaphore(%run_scoped3A_42 : memref<!tpu.dma_semaphore, #tpu.memory_space<semaphore_mem>>) {add = true}
      %dma_wait3A_53 = arith.constant 0 : i32
      %dma_wait3A_54 = arith.constant 0 : i32
      %dma_wait3A_55 = tpu.memref_slice %arg8[%run_scoped3A, %dma_wait3A_53, %dma_wait3A_54] : memref<2x96x128xf32, #tpu.memory_space<vmem>> -> memref<1x96x128xf32, #tpu.memory_space<vmem>>
      %dma_wait3A_56 = tpu.memref_squeeze %dma_wait3A_55 : memref<1x96x128xf32, #tpu.memory_space<vmem>> -> memref<96x128xf32, #tpu.memory_space<vmem>>
      %dma_wait3A_57 = arith.constant 0 : i32
      %dma_wait3A_58 = tpu.memref_slice %arg7[%run_scoped3A_36, %dma_wait3A_57] : memref<105x96xi32, #tpu.memory_space<vmem>> -> memref<1x96xi32, #tpu.memory_space<vmem>>
      %dma_wait3A_59 = tpu.memref_squeeze %dma_wait3A_58 : memref<1x96xi32, #tpu.memory_space<vmem>> -> memref<96xi32, #tpu.memory_space<vmem>>
      %dma_wait3A_60 = arith.constant 0 : i32
      %dma_wait3A_61 = arith.constant 0 : i32
      %dma_wait3A_62 = tpu.memref_slice %arg9[%dma_wait3A_60, %dma_wait3A_61] : memref<10240x128xf32, #tpu.memory_space<vmem_shared>> -> memref<10240x128xf32, #tpu.memory_space<vmem_shared>>
      tpu.wait_indirect_dma semaphore(%run_scoped3A_42 : memref<!tpu.dma_semaphore, #tpu.memory_space<semaphore_mem>>) src(%dma_wait3A_56 : memref<96x128xf32, #tpu.memory_space<vmem>>) dst(%dma_wait3A_62 : memref<10240x128xf32, #tpu.memory_space<vmem_shared>>)
      tpu.yield
    }) : () -> ()
    %barrier3A_37 = arith.constant 0 : index
    tpu.barrier barrier_id(%barrier3A_37)
    %mul3A_38 = arith.constant 640 : i32
    %mul3A_39 = arith.muli %arg1, %mul3A_38 : i32
    %mul3A_40 = arith.constant 640 : i32
    %mul3A_41 = arith.muli %arg1, %mul3A_40 : i32
    "tpu.region"() ({
      %run_scoped3A_42 = tpu.sem_alloc : memref<!tpu.dma_semaphore, #tpu.memory_space<semaphore_mem>>
      %dma_start3A_43 = arith.constant 0 : i32
      %dma_start3A_44 = tpu.memref_slice %arg5[%arg0, %mul3A_41, %dma_start3A_43] : memref<2x10240x128xf32, #tpu.memory_space<hbm>> -> memref<1x640x128xf32, #tpu.memory_space<hbm>>
      %dma_start3A_45 = tpu.memref_squeeze %dma_start3A_44 : memref<1x640x128xf32, #tpu.memory_space<hbm>> -> memref<640x128xf32, #tpu.memory_space<hbm>>
      %dma_start3A_46 = arith.constant 0 : i32
      %dma_start3A_47 = tpu.memref_slice %arg9[%mul3A_39, %dma_start3A_46] : memref<10240x128xf32, #tpu.memory_space<vmem_shared>> -> memref<640x128xf32, #tpu.memory_space<vmem_shared>>
      tpu.enqueue_dma source(%dma_start3A_47 : memref<640x128xf32, #tpu.memory_space<vmem_shared>>) target(%dma_start3A_45 : memref<640x128xf32, #tpu.memory_space<hbm>>) target_semaphore(%run_scoped3A_42 : memref<!tpu.dma_semaphore, #tpu.memory_space<semaphore_mem>>)
      %dma_wait3A_48 = arith.constant 0 : i32
      %dma_wait3A_49 = tpu.memref_slice %arg5[%arg0, %mul3A_41, %dma_wait3A_48] : memref<2x10240x128xf32, #tpu.memory_space<hbm>> -> memref<1x640x128xf32, #tpu.memory_space<hbm>>
      %dma_wait3A_50 = tpu.memref_squeeze %dma_wait3A_49 : memref<1x640x128xf32, #tpu.memory_space<hbm>> -> memref<640x128xf32, #tpu.memory_space<hbm>>
      %dma_wait3A_51 = arith.constant 0 : i32
      %dma_wait3A_52 = tpu.memref_slice %arg9[%mul3A_39, %dma_wait3A_51] : memref<10240x128xf32, #tpu.memory_space<vmem_shared>> -> memref<640x128xf32, #tpu.memory_space<vmem_shared>>
      tpu.wait_dma2 semaphore(%run_scoped3A_42 : memref<!tpu.dma_semaphore, #tpu.memory_space<semaphore_mem>>) src(%dma_wait3A_52 : memref<640x128xf32, #tpu.memory_space<vmem_shared>>) dst(%dma_wait3A_50 : memref<640x128xf32, #tpu.memory_space<hbm>>)
      tpu.yield
    }) : () -> ()
    return
  }
}

#map = affine_map<(d0, d1) -> (0)>
#map1 = affine_map<(d0, d1) -> (0, 0)>
module attributes {stable_mosaic.version = 14 : i64} {
  func.func @_prop2(%arg0: i32, %arg1: i32, %arg2: memref<320000xi32, #tpu.memory_space<hbm>>, %arg3: memref<320000xi32, #tpu.memory_space<hbm>>, %arg4: memref<10240xf32, #tpu.memory_space<hbm>>, %arg5: memref<32x10240xf32, #tpu.memory_space<hbm>>, %arg6: memref<10000xi32, #tpu.memory_space<vmem>>, %arg7: memref<10000xi32, #tpu.memory_space<vmem>>, %arg8: memref<10240xf32, #tpu.memory_space<vmem>>, %arg9: memref<10240xf32, #tpu.memory_space<vmem>>) attributes {dimension_semantics = [#tpu.dimension_semantics<core_parallel>, #tpu.dimension_semantics<subcore_parallel>], iteration_bounds = array<i64: 2, 16>, scalar_prefetch = 0 : i64, scratch_operands = 4 : i64, tpu.core_type = #tpu.core_type<sc_vector_subcore>, window_params = [{transform_indices = #map}, {transform_indices = #map}, {transform_indices = #map}, {transform_indices = #map1}]} {
    %mul3A = arith.constant 2 : i32
    %mul3A_0 = arith.muli %arg1, %mul3A : i32
    %add3A = arith.addi %mul3A_0, %arg0 : i32
    %broadcast_in_dim3A = arith.constant 0.000000e+00 : f32
    %broadcast_in_dim3A_1 = vector.broadcast %broadcast_in_dim3A : f32 to vector<16xf32>
    %scan3A = arith.constant 0 : i32
    %scan3A_2 = arith.constant 640 : i32
    %scan3A_3 = arith.addi %scan3A, %scan3A_2 : i32
    %scan3A_4 = arith.constant 1 : i32
    scf.for %scan3A_15 = %scan3A to %scan3A_3 step %scan3A_4  : i32 {
      %mul3A_16 = arith.constant 16 : i32
      %mul3A_17 = arith.muli %scan3A_15, %mul3A_16 : i32
      %add3A_18 = arith.constant 0 : i32
      %add3A_19 = arith.addi %add3A_18, %mul3A_17 : i32
      %swap3A = arith.index_cast %add3A_19 : i32 to index
      %swap3A_20 = tpu.vector_load %arg9[%swap3A] {strides = array<i32>} : memref<10240xf32, #tpu.memory_space<vmem>>, vector<16xf32>,
      tpu.vector_store %arg9[%swap3A], %broadcast_in_dim3A_1 {strides = array<i32>} : memref<10240xf32, #tpu.memory_space<vmem>>, vector<16xf32>,
    }
    %scan3A_5 = arith.constant 640 : i32
    %mul3A_6 = arith.constant 10000 : i32
    %mul3A_7 = arith.muli %add3A, %mul3A_6 : i32
    "tpu.region"() ({
      %run_scoped3A = tpu.sem_alloc : memref<!tpu.dma_semaphore, #tpu.memory_space<semaphore_mem>>
      %dma_start3A = tpu.memref_slice %arg2[%mul3A_7] : memref<320000xi32, #tpu.memory_space<hbm>> -> memref<10000xi32, #tpu.memory_space<hbm>>
      %dma_start3A_15 = tpu.memref_slice %arg2[%mul3A_7] : memref<320000xi32, #tpu.memory_space<hbm>> -> memref<10000xi32, #tpu.memory_space<hbm>>
      tpu.enqueue_dma source(%dma_start3A_15 : memref<10000xi32, #tpu.memory_space<hbm>>) target(%arg6 : memref<10000xi32, #tpu.memory_space<vmem>>) target_semaphore(%run_scoped3A : memref<!tpu.dma_semaphore, #tpu.memory_space<semaphore_mem>>)
      %dma_wait3A = tpu.memref_slice %arg2[%mul3A_7] : memref<320000xi32, #tpu.memory_space<hbm>> -> memref<10000xi32, #tpu.memory_space<hbm>>
      %dma_wait3A_16 = tpu.memref_slice %arg2[%mul3A_7] : memref<320000xi32, #tpu.memory_space<hbm>> -> memref<10000xi32, #tpu.memory_space<hbm>>
      tpu.wait_dma2 semaphore(%run_scoped3A : memref<!tpu.dma_semaphore, #tpu.memory_space<semaphore_mem>>) src(%dma_wait3A_16 : memref<10000xi32, #tpu.memory_space<hbm>>) dst(%arg6 : memref<10000xi32, #tpu.memory_space<vmem>>)
      tpu.yield
    }) : () -> ()
    %mul3A_8 = arith.constant 10000 : i32
    %mul3A_9 = arith.muli %add3A, %mul3A_8 : i32
    "tpu.region"() ({
      %run_scoped3A = tpu.sem_alloc : memref<!tpu.dma_semaphore, #tpu.memory_space<semaphore_mem>>
      %dma_start3A = tpu.memref_slice %arg3[%mul3A_9] : memref<320000xi32, #tpu.memory_space<hbm>> -> memref<10000xi32, #tpu.memory_space<hbm>>
      %dma_start3A_15 = tpu.memref_slice %arg3[%mul3A_9] : memref<320000xi32, #tpu.memory_space<hbm>> -> memref<10000xi32, #tpu.memory_space<hbm>>
      tpu.enqueue_dma source(%dma_start3A_15 : memref<10000xi32, #tpu.memory_space<hbm>>) target(%arg7 : memref<10000xi32, #tpu.memory_space<vmem>>) target_semaphore(%run_scoped3A : memref<!tpu.dma_semaphore, #tpu.memory_space<semaphore_mem>>)
      %dma_wait3A = tpu.memref_slice %arg3[%mul3A_9] : memref<320000xi32, #tpu.memory_space<hbm>> -> memref<10000xi32, #tpu.memory_space<hbm>>
      %dma_wait3A_16 = tpu.memref_slice %arg3[%mul3A_9] : memref<320000xi32, #tpu.memory_space<hbm>> -> memref<10000xi32, #tpu.memory_space<hbm>>
      tpu.wait_dma2 semaphore(%run_scoped3A : memref<!tpu.dma_semaphore, #tpu.memory_space<semaphore_mem>>) src(%dma_wait3A_16 : memref<10000xi32, #tpu.memory_space<hbm>>) dst(%arg7 : memref<10000xi32, #tpu.memory_space<vmem>>)
      tpu.yield
    }) : () -> ()
    "tpu.region"() ({
      %run_scoped3A = tpu.sem_alloc : memref<!tpu.dma_semaphore, #tpu.memory_space<semaphore_mem>>
      tpu.enqueue_dma source(%arg4 : memref<10240xf32, #tpu.memory_space<hbm>>) target(%arg8 : memref<10240xf32, #tpu.memory_space<vmem>>) target_semaphore(%run_scoped3A : memref<!tpu.dma_semaphore, #tpu.memory_space<semaphore_mem>>)
      tpu.wait_dma2 semaphore(%run_scoped3A : memref<!tpu.dma_semaphore, #tpu.memory_space<semaphore_mem>>) src(%arg4 : memref<10240xf32, #tpu.memory_space<hbm>>) dst(%arg8 : memref<10240xf32, #tpu.memory_space<vmem>>)
      tpu.yield
    }) : () -> ()
    %scan3A_10 = arith.constant 0 : i32
    %scan3A_11 = arith.constant 625 : i32
    %scan3A_12 = arith.addi %scan3A_10, %scan3A_11 : i32
    %scan3A_13 = arith.constant 1 : i32
    scf.for %scan3A_15 = %scan3A_10 to %scan3A_12 step %scan3A_13  : i32 {
      %mul3A_16 = arith.constant 16 : i32
      %mul3A_17 = arith.muli %scan3A_15, %mul3A_16 : i32
      %add3A_18 = arith.constant 0 : i32
      %add3A_19 = arith.addi %add3A_18, %mul3A_17 : i32
      %get3A = arith.index_cast %add3A_19 : i32 to index
      %get3A_20 = tpu.vector_load %arg6[%get3A] {strides = array<i32>} : memref<10000xi32, #tpu.memory_space<vmem>>, vector<16xi32>,
      %gather3A = tpu.vector_load_idx %arg8[%get3A_20] : memref<10240xf32, #tpu.memory_space<vmem>>[vector<16xi32>], vector<16xf32>,
      %get3A_21 = arith.index_cast %add3A_19 : i32 to index
      %get3A_22 = tpu.vector_load %arg7[%get3A_21] {strides = array<i32>} : memref<10000xi32, #tpu.memory_space<vmem>>, vector<16xi32>,
      tpu.vector_store_idx %arg9[%get3A_22], %gather3A {add = true} : memref<10240xf32, #tpu.memory_space<vmem>>[vector<16xi32>], vector<16xf32>,
    }
    %scan3A_14 = arith.constant 625 : i32
    "tpu.region"() ({
      %run_scoped3A = tpu.sem_alloc : memref<!tpu.dma_semaphore, #tpu.memory_space<semaphore_mem>>
      %dma_start3A = arith.constant 0 : i32
      %dma_start3A_15 = tpu.memref_slice %arg5[%add3A, %dma_start3A] : memref<32x10240xf32, #tpu.memory_space<hbm>> -> memref<1x10240xf32, #tpu.memory_space<hbm>>
      %dma_start3A_16 = tpu.memref_squeeze %dma_start3A_15 : memref<1x10240xf32, #tpu.memory_space<hbm>> -> memref<10240xf32, #tpu.memory_space<hbm>>
      %dma_start3A_17 = arith.constant 0 : i32
      %dma_start3A_18 = tpu.memref_slice %arg5[%add3A, %dma_start3A_17] : memref<32x10240xf32, #tpu.memory_space<hbm>> -> memref<1x10240xf32, #tpu.memory_space<hbm>>
      %dma_start3A_19 = tpu.memref_squeeze %dma_start3A_18 : memref<1x10240xf32, #tpu.memory_space<hbm>> -> memref<10240xf32, #tpu.memory_space<hbm>>
      tpu.enqueue_dma source(%arg9 : memref<10240xf32, #tpu.memory_space<vmem>>) target(%dma_start3A_19 : memref<10240xf32, #tpu.memory_space<hbm>>) target_semaphore(%run_scoped3A : memref<!tpu.dma_semaphore, #tpu.memory_space<semaphore_mem>>)
      %dma_wait3A = arith.constant 0 : i32
      %dma_wait3A_20 = tpu.memref_slice %arg5[%add3A, %dma_wait3A] : memref<32x10240xf32, #tpu.memory_space<hbm>> -> memref<1x10240xf32, #tpu.memory_space<hbm>>
      %dma_wait3A_21 = tpu.memref_squeeze %dma_wait3A_20 : memref<1x10240xf32, #tpu.memory_space<hbm>> -> memref<10240xf32, #tpu.memory_space<hbm>>
      %dma_wait3A_22 = arith.constant 0 : i32
      %dma_wait3A_23 = tpu.memref_slice %arg5[%add3A, %dma_wait3A_22] : memref<32x10240xf32, #tpu.memory_space<hbm>> -> memref<1x10240xf32, #tpu.memory_space<hbm>>
      %dma_wait3A_24 = tpu.memref_squeeze %dma_wait3A_23 : memref<1x10240xf32, #tpu.memory_space<hbm>> -> memref<10240xf32, #tpu.memory_space<hbm>>
      tpu.wait_dma2 semaphore(%run_scoped3A : memref<!tpu.dma_semaphore, #tpu.memory_space<semaphore_mem>>) src(%arg9 : memref<10240xf32, #tpu.memory_space<vmem>>) dst(%dma_wait3A_24 : memref<10240xf32, #tpu.memory_space<hbm>>)
      tpu.yield
    }) : () -> ()
    return
  }
}

module attributes {stable_mosaic.version = 14 : i64} {
  func.func @_tc1_body(%arg0: i32, %arg1: memref<1024x128xf32, #tpu.memory_space<vmem>>, %arg2: memref<128x128xf32, #tpu.memory_space<vmem>>, %arg3: memref<32x1024xf32, #tpu.memory_space<vmem>>, %arg4: memref<1024x128xf32, #tpu.memory_space<vmem>>, %arg5: memref<1024xf32, #tpu.memory_space<vmem>>) attributes {dimension_semantics = [#tpu.dimension_semantics<arbitrary>], iteration_bounds = array<i64: 10>, scalar_prefetch = 0 : i64, scratch_operands = 0 : i64, tpu.core_type = #tpu.core_type<tc>, window_params = [{transform_indices = @transform_0, window_bounds = array<i64: 1024, 128>}, {pipeline_mode = #tpu.pipeline_mode<synchronous>, transform_indices = @transform_1, window_bounds = array<i64: 128, 128>}, {transform_indices = @transform_2, window_bounds = array<i64: 32, 1024>}, {transform_indices = @transform_3, window_bounds = array<i64: 1024, 128>}, {transform_indices = @transform_4, window_bounds = array<i64: 1024>}]} {
    %get3A = arith.constant 0 : index
    %get3A_0 = arith.constant 0 : index
    %get3A_1 = vector.load %arg3[%get3A, %get3A_0] : memref<32x1024xf32, #tpu.memory_space<vmem>>, vector<32x1024xf32>
    %reduce_sum3A = arith.constant dense<0.000000e+00> : vector<1024xf32>
    %reduce_sum3A_2 = vector.multi_reduction <add>, %get3A_1, %reduce_sum3A [0] : vector<32x1024xf32> to vector<1024xf32>
    %add3A = arith.constant 1.000000e+00 : f32
    %add3A_3 = vector.broadcast %add3A : f32 to vector<1024xf32>
    %add3A_4 = arith.addf %reduce_sum3A_2, %add3A_3 : vector<1024xf32>
    %rsqrt3A = math.rsqrt %add3A_4 : vector<1024xf32>
    %get3A_5 = arith.constant 0 : index
    %get3A_6 = arith.constant 0 : index
    %get3A_7 = vector.load %arg1[%get3A_5, %get3A_6] : memref<1024x128xf32, #tpu.memory_space<vmem>>, vector<1024x128xf32>
    %get3A_8 = arith.constant 0 : index
    %get3A_9 = arith.constant 0 : index
    %get3A_10 = vector.load %arg2[%get3A_8, %get3A_9] : memref<128x128xf32, #tpu.memory_space<vmem>>, vector<128x128xf32>
    %dot_general3A = arith.constant dense<0.000000e+00> : vector<1024x128xf32>
    %dot_general3A_11 = tpu.matmul %get3A_7, %get3A_10, %dot_general3A {dimension_numbers = #tpu.dot_dimension_numbers<[1], [0], [0], [1], [0, 0, 1, 1], [], []>, transpose_lhs_hint = false} : vector<1024x128xf32>, vector<128x128xf32>, vector<1024x128xf32> -> vector<1024x128xf32>
    %broadcast_in_dim3A = vector.shape_cast %rsqrt3A : vector<1024xf32> to vector<1024x1xf32>
    %mul3A = vector.broadcast %broadcast_in_dim3A : vector<1024x1xf32> to vector<1024x128xf32>
    %mul3A_12 = arith.mulf %dot_general3A_11, %mul3A : vector<1024x128xf32>
    %swap3A = arith.constant 0 : index
    %swap3A_13 = arith.constant 0 : index
    %swap3A_14 = vector.load %arg4[%swap3A, %swap3A_13] : memref<1024x128xf32, #tpu.memory_space<vmem>>, vector<1024x128xf32>
    tpu.vector_store %arg4[%swap3A, %swap3A_13], %mul3A_12 {strides = array<i32>} : memref<1024x128xf32, #tpu.memory_space<vmem>>, vector<1024x128xf32>,
    %swap3A_15 = arith.constant 0 : index
    %swap3A_16 = vector.load %arg5[%swap3A_15] : memref<1024xf32, #tpu.memory_space<vmem>>, vector<1024xf32>
    tpu.vector_store %arg5[%swap3A_15], %rsqrt3A {strides = array<i32>} : memref<1024xf32, #tpu.memory_space<vmem>>, vector<1024xf32>,
    return
  }
  func.func @transform_0(%arg0: i32) -> (i32, i32) {
    %c0_i32 = arith.constant 0 : i32
    %c0_i32_0 = arith.constant 0 : i32
    return %arg0, %c0_i32 : i32, i32
  }
  func.func @transform_1(%arg0: i32) -> (i32, i32) {
    %c0_i32 = arith.constant 0 : i32
    %c0_i32_0 = arith.constant 0 : i32
    %c0_i32_1 = arith.constant 0 : i32
    return %c0_i32, %c0_i32_0 : i32, i32
  }
  func.func @transform_2(%arg0: i32) -> (i32, i32) {
    %c0_i32 = arith.constant 0 : i32
    %c0_i32_0 = arith.constant 0 : i32
    return %c0_i32, %arg0 : i32, i32
  }
  func.func @transform_3(%arg0: i32) -> (i32, i32) {
    %c0_i32 = arith.constant 0 : i32
    %c0_i32_0 = arith.constant 0 : i32
    return %arg0, %c0_i32 : i32, i32
  }
  func.func @transform_4(%arg0: i32) -> i32 {
    %c0_i32 = arith.constant 0 : i32
    return %arg0 : i32
  }
}

module attributes {stable_mosaic.version = 14 : i64} {
  func.func @_tc2_body(%arg0: i32, %arg1: memref<1024x128xf32, #tpu.memory_space<vmem>>, %arg2: memref<1024x128xf32, #tpu.memory_space<vmem>>, %arg3: memref<1024x128xf32, #tpu.memory_space<vmem>>, %arg4: memref<1024xf32, #tpu.memory_space<vmem>>, %arg5: memref<128x1xf32, #tpu.memory_space<vmem>>, %arg6: memref<128xf32, #tpu.memory_space<vmem>>, %arg7: memref<1024xf32, #tpu.memory_space<vmem>>) attributes {dimension_semantics = [#tpu.dimension_semantics<arbitrary>], iteration_bounds = array<i64: 10>, scalar_prefetch = 0 : i64, scratch_operands = 0 : i64, tpu.core_type = #tpu.core_type<tc>, window_params = [{transform_indices = @transform_0, window_bounds = array<i64: 1024, 128>}, {transform_indices = @transform_1, window_bounds = array<i64: 1024, 128>}, {transform_indices = @transform_2, window_bounds = array<i64: 1024, 128>}, {transform_indices = @transform_3, window_bounds = array<i64: 1024>}, {pipeline_mode = #tpu.pipeline_mode<synchronous>, transform_indices = @transform_4, window_bounds = array<i64: 128, 1>}, {pipeline_mode = #tpu.pipeline_mode<synchronous>, transform_indices = @transform_5, window_bounds = array<i64: 128>}, {transform_indices = @transform_6, window_bounds = array<i64: 1024>}]} {
    %get3A = arith.constant 0 : index
    %get3A_0 = vector.load %arg4[%get3A] : memref<1024xf32, #tpu.memory_space<vmem>>, vector<1024xf32>
    %get3A_1 = arith.constant 0 : index
    %get3A_2 = arith.constant 0 : index
    %get3A_3 = vector.load %arg1[%get3A_1, %get3A_2] : memref<1024x128xf32, #tpu.memory_space<vmem>>, vector<1024x128xf32>
    %get3A_4 = arith.constant 0 : index
    %get3A_5 = arith.constant 0 : index
    %get3A_6 = vector.load %arg2[%get3A_4, %get3A_5] : memref<1024x128xf32, #tpu.memory_space<vmem>>, vector<1024x128xf32>
    %add3A = arith.addf %get3A_3, %get3A_6 : vector<1024x128xf32>
    %get3A_7 = arith.constant 0 : index
    %get3A_8 = arith.constant 0 : index
    %get3A_9 = vector.load %arg3[%get3A_7, %get3A_8] : memref<1024x128xf32, #tpu.memory_space<vmem>>, vector<1024x128xf32>
    %add3A_10 = arith.addf %add3A, %get3A_9 : vector<1024x128xf32>
    %broadcast_in_dim3A = vector.shape_cast %get3A_0 : vector<1024xf32> to vector<1024x1xf32>
    %mul3A = vector.broadcast %broadcast_in_dim3A : vector<1024x1xf32> to vector<1024x128xf32>
    %mul3A_11 = arith.mulf %mul3A, %add3A_10 : vector<1024x128xf32>
    %get3A_12 = arith.constant 0 : index
    %get3A_13 = vector.load %arg6[%get3A_12] : memref<128xf32, #tpu.memory_space<vmem>>, vector<128xf32>
    %broadcast_in_dim3A_14 = vector.shape_cast %get3A_13 : vector<128xf32> to vector<1x128xf32>
    %add3A_15 = vector.broadcast %broadcast_in_dim3A_14 : vector<1x128xf32> to vector<1024x128xf32>
    %add3A_16 = arith.addf %mul3A_11, %add3A_15 : vector<1024x128xf32>
    %max3A = arith.constant 0.000000e+00 : f32
    %max3A_17 = vector.broadcast %max3A : f32 to vector<1024x128xf32>
    %max3A_18 = arith.maximumf %add3A_16, %max3A_17 : vector<1024x128xf32>
    %get3A_19 = arith.constant 0 : index
    %get3A_20 = arith.constant 0 : index
    %get3A_21 = vector.load %arg5[%get3A_19, %get3A_20] : memref<128x1xf32, #tpu.memory_space<vmem>>, vector<128x1xf32>
    %dot_general3A = arith.constant dense<0.000000e+00> : vector<1024x1xf32>
    %dot_general3A_22 = tpu.matmul %max3A_18, %get3A_21, %dot_general3A {dimension_numbers = #tpu.dot_dimension_numbers<[1], [0], [0], [1], [0, 0, 1, 1], [], []>, transpose_lhs_hint = false} : vector<1024x128xf32>, vector<128x1xf32>, vector<1024x1xf32> -> vector<1024x1xf32>
    %squeeze3A = vector.shape_cast %dot_general3A_22 : vector<1024x1xf32> to vector<1024xf32>
    %mul3A_23 = arith.mulf %squeeze3A, %get3A_0 : vector<1024xf32>
    %swap3A = arith.constant 0 : index
    %swap3A_24 = vector.load %arg7[%swap3A] : memref<1024xf32, #tpu.memory_space<vmem>>, vector<1024xf32>
    tpu.vector_store %arg7[%swap3A], %mul3A_23 {strides = array<i32>} : memref<1024xf32, #tpu.memory_space<vmem>>, vector<1024xf32>,
    return
  }
  func.func @transform_0(%arg0: i32) -> (i32, i32) {
    %c0_i32 = arith.constant 0 : i32
    %c0_i32_0 = arith.constant 0 : i32
    return %arg0, %c0_i32 : i32, i32
  }
  func.func @transform_1(%arg0: i32) -> (i32, i32) {
    %c0_i32 = arith.constant 0 : i32
    %c0_i32_0 = arith.constant 0 : i32
    return %arg0, %c0_i32 : i32, i32
  }
  func.func @transform_2(%arg0: i32) -> (i32, i32) {
    %c0_i32 = arith.constant 0 : i32
    %c0_i32_0 = arith.constant 0 : i32
    return %arg0, %c0_i32 : i32, i32
  }
  func.func @transform_3(%arg0: i32) -> i32 {
    %c0_i32 = arith.constant 0 : i32
    return %arg0 : i32
  }
  func.func @transform_4(%arg0: i32) -> (i32, i32) {
    %c0_i32 = arith.constant 0 : i32
    %c0_i32_0 = arith.constant 0 : i32
    %c0_i32_1 = arith.constant 0 : i32
    return %c0_i32, %c0_i32_0 : i32, i32
  }
  func.func @transform_5(%arg0: i32) -> i32 {
    %c0_i32 = arith.constant 0 : i32
    %c0_i32_0 = arith.constant 0 : i32
    return %c0_i32 : i32
  }
  func.func @transform_6(%arg0: i32) -> i32 {
    %c0_i32 = arith.constant 0 : i32
    return %arg0 : i32
  }
}

module attributes {stable_mosaic.version = 14 : i64} {
  func.func @_tc3_body(%arg0: i32, %arg1: memref<32x1024xf32, #tpu.memory_space<vmem>>, %arg2: memref<1024xf32, #tpu.memory_space<vmem>>, %arg3: memref<1024xf32, #tpu.memory_space<vmem>>, %arg4: memref<1xf32, #tpu.memory_space<vmem>>, %arg5: memref<1024xf32, #tpu.memory_space<vmem>>) attributes {dimension_semantics = [#tpu.dimension_semantics<arbitrary>], iteration_bounds = array<i64: 10>, scalar_prefetch = 0 : i64, scratch_operands = 0 : i64, tpu.core_type = #tpu.core_type<tc>, window_params = [{transform_indices = @transform_0, window_bounds = array<i64: 32, 1024>}, {transform_indices = @transform_1, window_bounds = array<i64: 1024>}, {transform_indices = @transform_2, window_bounds = array<i64: 1024>}, {pipeline_mode = #tpu.pipeline_mode<synchronous>, transform_indices = @transform_3, window_bounds = array<i64: 1>}, {transform_indices = @transform_4, window_bounds = array<i64: 1024>}]} {
    %get3A = arith.constant 0 : index
    %get3A_0 = arith.constant 0 : index
    %get3A_1 = vector.load %arg1[%get3A, %get3A_0] : memref<32x1024xf32, #tpu.memory_space<vmem>>, vector<32x1024xf32>
    %reduce_sum3A = arith.constant dense<0.000000e+00> : vector<1024xf32>
    %reduce_sum3A_2 = vector.multi_reduction <add>, %get3A_1, %reduce_sum3A [0] : vector<32x1024xf32> to vector<1024xf32>
    %get3A_3 = arith.constant 0 : index
    %get3A_4 = vector.load %arg2[%get3A_3] : memref<1024xf32, #tpu.memory_space<vmem>>, vector<1024xf32>
    %add3A = arith.addf %reduce_sum3A_2, %get3A_4 : vector<1024xf32>
    %get3A_5 = arith.constant 0 : index
    %get3A_6 = vector.load %arg3[%get3A_5] : memref<1024xf32, #tpu.memory_space<vmem>>, vector<1024xf32>
    %mul3A = arith.mulf %get3A_6, %add3A : vector<1024xf32>
    %get3A_7 = arith.constant 0 : index
    %get3A_8 = vector.load %arg4[%get3A_7] : memref<1xf32, #tpu.memory_space<vmem>>, vector<1xf32>
    %get3A_9 = vector.extract %get3A_8[0] : f32 from vector<1xf32>
    %add3A_10 = vector.broadcast %get3A_9 : f32 to vector<1024xf32>
    %add3A_11 = arith.addf %mul3A, %add3A_10 : vector<1024xf32>
    %swap3A = arith.constant 0 : index
    %swap3A_12 = vector.load %arg5[%swap3A] : memref<1024xf32, #tpu.memory_space<vmem>>, vector<1024xf32>
    tpu.vector_store %arg5[%swap3A], %add3A_11 {strides = array<i32>} : memref<1024xf32, #tpu.memory_space<vmem>>, vector<1024xf32>,
    return
  }
  func.func @transform_0(%arg0: i32) -> (i32, i32) {
    %c0_i32 = arith.constant 0 : i32
    %c0_i32_0 = arith.constant 0 : i32
    return %c0_i32, %arg0 : i32, i32
  }
  func.func @transform_1(%arg0: i32) -> i32 {
    %c0_i32 = arith.constant 0 : i32
    return %arg0 : i32
  }
  func.func @transform_2(%arg0: i32) -> i32 {
    %c0_i32 = arith.constant 0 : i32
    return %arg0 : i32
  }
  func.func @transform_3(%arg0: i32) -> i32 {
    %c0_i32 = arith.constant 0 : i32
    %c0_i32_0 = arith.constant 0 : i32
    return %c0_i32 : i32
  }
  func.func @transform_4(%arg0: i32) -> i32 {
    %c0_i32 = arith.constant 0 : i32
    return %arg0 : i32
  }
}

</mosaic_0001>

<sc_bundles>
// kernel: kernel.11.cloned.1.call-start
scs
__scs_entry_jumppad:
0x0: {  	(pc) =	sbr.rel $0x88, $3  }
0x1: {  	(tag) =	ssettag $0x0;
	lr =	simm.s32 $0x1  }
0x2: {  	[smem:$0x3F9B] =	sst lr;
	_ =	strace $0xD0000000  }
0x3: {  	_ = 	snop  }
0x4: {  	_ = 	snop  }
0x5: {  	_ = 	snop  }
0x6: {  	_ = 	snop  }
0x7: {  	_ = 	snop  }
__scs_overlays_trampoline_lowered:
0x8: {  	[smem:$0x3FAA] =	sst s0  }
0x9: {  	[smem:$0x3FAB] =	sst s1  }
0xa: {  	[smem:$0x3FAC] =	sst s2  }
0xb: {  	[smem:$0x3FAD] =	sst s3  }
0xc: {  	[smem:$0x3FAE] =	sst s4  }
0xd: {  	[smem:$0x3FAF] =	sst s5  }
0xe: {  	[smem:$0x3FB0] =	sst s6  }
0xf: {  	[smem:$0x3FB1] =	sst s7  }
0x10: {  	[smem:$0x3FB2] =	sst s8  }
0x11: {  	[smem:$0x3FB3] =	sst s9;
	s0 =	simm.s32 @!p0 $0x0  }
0x12: {  	s1 =	sld [smem:$0x3F99];
	s0 =	simm.s32 @p0 $0x1  }
0x13: {  	[smem:$0x3FB4] =	sst s0;
	s0 =	simm.s32 @!p1 $0x0  }
0x14: {  	s2 =	sld [smem:$0x3F98];
	s0 =	simm.s32 @p1 $0x1  }
0x15: {  	[smem:$0x3FB5] =	sst s0;
	s0 =	simm.s32 @!p2 $0x0  }
0x16: {  	s3 =	sld [smem:$0x3FDB];
	s0 =	simm.s32 @p2 $0x1  }
0x17: {  	s4 =	simm.s32 $0x1BF5;
	[smem:$0x3FB7] =	sst s0  }
0x18: {  	s0 =	sld [smem:$0x3F9A];
	_ =	swait.ge [sflag:s4], $0x0  }
0x19: {  	s7 =	sld [smem:$0x3F9B]  }
0x1a: {  	s8 =	sadd.s32 $0xFFFFE003, lr  }
0x1b: {  	s9 =	sadd.s32 $0xFFFFFEF7, lr;
	s5 =	simm.s32 $0xFFFFFFFF;
	p2 =	slt.u32 s8, $0xFFFFF086  }
0x1c: {  	p1 =	slt.u32 s9, $0xF7A;
	s5 =	simm.s32 @!p2 $0x0  }
0x1d: {  	s5 =	simm.s32 @p1 $0x1;
	p0 =	seq.s32 s7, s2  }
0x1e: {  	s7 =	smul.u32 @!p0 $0xF7A, s2;
	p2 =	seq.s32 @!p0 s5, $0x0  }
0x1f: {  	s9 =	smul.u32 $0xF7A, s1;
	s8 =	simm.s32 @!p0 $0x1BF5;
	p2 =	por !p2, p0  }
0x20: {  	[sflag:s8] =	ssyncset.s32 @!p0 $0xFFFFF086;
	s6 =	sadd.s32 @!p0 s3, s7;
	s7 =	simm.s32 @!p0 $0x108  }
0x21: {  	s3 =	sadd.s32 s3, s9;
	s6 =	sadd.s32 @!p0 $0x88, s6;
	s7 =	simm.s32 @p2 $0x1082  }
0x22: {  	[simem:s7], [sflag:s8] =	dma.local @!p0 [hbm:s6], $0xF7A  }
0x23: {  	s9 =	sor.u32 $0xD0000000, s2;
	s6 =	simm.s32 $0x108;
	_ =	swait.ge @!p0 [sflag:s8], $0x0  }
0x24: {  	s3 =	sadd.s32 $0x88, s3;
	s6 =	simm.s32 @!p1 $0x1082;
	[sflag:s4] =	ssyncset.s32 $0xFFFFF086  }
0x25: {  	[simem:s6], [sflag:s4] =	dma.local [hbm:s3], $0xF7A  }
0x26: {  	[smem:$0x3F9B] =	sst s1;
	(tag) =	ssettag s2;
	_ =	strace s9  }
0x27: {  	s1 =	sld [smem:$0x3FAB]  }
0x28: {  	s2 =	sld [smem:$0x3FAC]  }
0x29: {  	s4 =	sld [smem:$0x3FAE]  }
0x2a: {  	p0 =	seq.s32 s5, $0x0;
	s5 =	sld [smem:$0x3FAF]  }
0x2b: {  	s6 =	sld [smem:$0x3FB0]  }
0x2c: {  	s7 =	sld [smem:$0x3FB1]  }
0x2d: {  	s3 =	simm.s32 $0x108;
	s8 =	sld [smem:$0x3FB2]  }
0x2e: {  	s3 =	simm.s32 @!p0 $0x1082;
	s9 =	sld [smem:$0x3FB3]  }
0x2f: {  	lr =	sadd.s32 s0, s3;
	s0 =	sld [smem:$0x3FAA]  }
0x30: {  	s3 =	sld [smem:$0x3FAD]  }
0x31: {  	[smem:$0x3FB6] =	sst s10  }
0x32: {  	s10 =	sld [smem:$0x3FB4];
	_ =	sdelay $0x3  }
0x33: {  	p0 =	seq.s32 s10, $0x1;
	s10 =	sld [smem:$0x3FB6];
	_ =	sdelay $0x3  }
0x34: {  	[smem:$0x3FB6] =	sst s10  }
0x35: {  	s10 =	sld [smem:$0x3FB5];
	_ =	sdelay $0x3  }
0x36: {  	p1 =	seq.s32 s10, $0x1;
	s10 =	sld [smem:$0x3FB6];
	_ =	sdelay $0x3  }
0x37: {  	[smem:$0x3FB6] =	sst s10  }
0x38: {  	s10 =	sld [smem:$0x3FB7]  }
0x39: {  	_ = 	snop;
	(pc) =	sbr.ind lr, $3  }
0x3a: {  	_ = 	snop  }
0x3b: {  	_ = 	snop  }
0x3c: {  	p2 =	seq.s32 s10, $0x1;
	s10 =	sld [smem:$0x3FB6]  }
0x3d: {  	_ =	shalt  }
0x3e: {  	_ =	shalt  }
0x3f: {  	_ =	shalt  }
0x40: {  	_ =	shalt  }
0x41: {  	_ =	shalt  }
0x42: {  	_ =	shalt  }
0x43: {  	_ =	shalt  }
0x44: {  	_ =	shalt  }
0x45: {  	_ =	shalt  }
0x46: {  	_ =	shalt  }
0x47: {  	_ =	shalt  }
0x48: {  	_ =	shalt  }
0x49: {  	_ =	shalt  }
0x4a: {  	_ =	shalt  }
0x4b: {  	_ =	shalt  }
0x4c: {  	_ =	shalt  }
0x4d: {  	_ =	shalt  }
0x4e: {  	_ =	shalt  }
0x4f: {  	_ =	shalt  }
0x50: {  	_ =	shalt  }
0x51: {  	_ =	shalt  }
0x52: {  	_ =	shalt  }
0x53: {  	_ =	shalt  }
0x54: {  	_ =	shalt  }
0x55: {  	_ =	shalt  }
0x56: {  	_ =	shalt  }
0x57: {  	_ =	shalt  }
0x58: {  	_ =	shalt  }
0x59: {  	_ =	shalt  }
0x5a: {  	_ =	shalt  }
0x5b: {  	_ =	shalt  }
0x5c: {  	_ =	shalt  }
0x5d: {  	_ =	shalt  }
0x5e: {  	_ =	shalt  }
0x5f: {  	_ =	shalt  }
0x60: {  	_ =	shalt  }
0x61: {  	_ =	shalt  }
0x62: {  	_ =	shalt  }
0x63: {  	_ =	shalt  }
0x64: {  	_ =	shalt  }
0x65: {  	_ =	shalt  }
0x66: {  	_ =	shalt  }
0x67: {  	_ =	shalt  }
0x68: {  	_ =	shalt  }
0x69: {  	_ =	shalt  }
0x6a: {  	_ =	shalt  }
0x6b: {  	_ =	shalt  }
0x6c: {  	_ =	shalt  }
0x6d: {  	_ =	shalt  }
0x6e: {  	_ =	shalt  }
0x6f: {  	_ =	shalt  }
0x70: {  	_ =	shalt  }
0x71: {  	_ =	shalt  }
0x72: {  	_ =	shalt  }
0x73: {  	_ =	shalt  }
0x74: {  	_ =	shalt  }
0x75: {  	_ =	shalt  }
0x76: {  	_ =	shalt  }
0x77: {  	_ =	shalt  }
0x78: {  	_ =	shalt  }
0x79: {  	_ =	shalt  }
0x7a: {  	_ =	shalt  }
0x7b: {  	_ =	shalt  }
0x7c: {  	_ =	shalt  }
0x7d: {  	_ =	shalt  }
0x7e: {  	_ =	shalt  }
0x7f: {  	_ =	shalt  }
0x80: {  	_ =	shalt  }
0x81: {  	_ =	shalt  }
0x82: {  	_ =	shalt  }
0x83: {  	_ =	shalt  }
0x84: {  	_ =	shalt  }
0x85: {  	_ =	shalt  }
0x86: {  	_ =	shalt  }
0x87: {  	_ =	shalt  }
.Lfunc_end0:
.L_simem_size_0:
called_computation.1_lowered:
.L_overlay_start_0:
0x88: {  	s2 =	sld [smem:$0x3FD9]  }
0x89: {  	s3 =	sld [smem:$0x3FFE];
	_ =	sdelay $0x1  }
0x8a: {  	s1 =	srdreg.scid  }
0x8b: {  	s0 =	sand.u32 $0x1, s1  }
0x8c: {  	s16 =	sshll.u32 s0, $0xA;
	s2 =	sadd.s32 s3, s2  }
0x8d: {  	s2 =	sadd.s32 s2, s16  }
0x8e: {  	[smem:$0x3FC2] =	sst s2  }
0x8f: {  	_ = 	snop  }
0x90: {  	(tm) =	ssettm $0x1  }
0x91: {  	s17 =	sld [smem:$0x3FFB];
	_ =	sdelay $0x3  }
0x92: {  	_ =	strace s17  }
0x93: {  	s2 =	sld [smem:$0x3FFC];
	_ =	sdelay $0x3  }
0x94: {  	_ =	strace s2  }
0x95: {  	s2 =	sld [smem:$0x3FFD];
	_ =	sdelay $0x3  }
0x96: {  	_ =	strace s2  }
0x97: {  	_ =	strace $0x8FFFFFFF  }
0x98: {  	s18 =	sld [smem:$0x3FDB];
	_ =	sdelay $0x1  }
0x99: {  	s19 =	simm.s32 $_scs_section_size  }
0x9a: {  	s4 =	simm.s32 $_size__tile_overlayer_lowered;
	s5 =	simm.s32 $_tile_overlayer_lowered  }
0x9b: {  	s22 =	simm.s32 $0x1BFF;
	s21 =	sshll.u32 s5, $0x1;
	s2 =	sadd.s32 s19, s18  }
0x9c: {  	s6 =	simm.s32 $0x0;
	s20 =	sshll.u32 s4, $0x1;
	s4 =	sadd.s32 s21, s2  }
0x9d: {  	[timem:s6], [sflag:s22] =	dma.local [hbm:s4], s20  }
0x9e: {  	_ =	swait.ge [sflag:s22], s20  }
0x9f: {  	s3 =	ssub.s32 $0x0, s20;
	[sflag:s22] =	ssyncset.done $0x0  }
0xa0: {  	[sflag:s22] =	ssyncadd.s32 s3;
	_ =	sdelay $0x1  }
0xa1: {  	s23 =	simm.s32 $0x1B8B  }
0xa2: {  	_ =	swait.ge [sflag:s23], $0x1  }
0xa3: {  	[sflag:s23] =	ssyncset.done $0x0  }
0xa4: {  	s25 =	simm.s32 $0x1B8E;
	s24 =	sld [smem:$0x3FFE];
	[sflag:s23] =	ssyncadd.s32 $0xFFFFFFFF  }
0xa5: {  	s26 =	simm.s32 $execute0_lowered;
	[smem:$0x3FD2] =	sst s25  }
0xa6: {  	s4 =	sshll.u32 s26, $0x1;
	_ =	strace $0x80000049;
	[dreg:$0x1] =	wrdreg $0xFFFFFFFF  }
0xa7: {  	s28 =	simm.s32 $_size_execute0_lowered;
	s2 =	sadd.s32 s2, s4;
	[dreg:$0x0] =	wrdreg $0x0  }
0xa8: {  	s4 =	sshll.u32 s28, $0x1;
	[dreg:$0x2] =	wrdreg s2  }
0xa9: {  	[dreg:$0x3] =	wrdreg s4  }
0xaa: {  	[dreg:$0x4] =	wrdreg $0xC0  }
0xab: {  	_ =	task [dreg:s6], $0x5FFFF  }
0xac: {  	[dreg:$0x1] =	wrdreg $0xFFFFFFFF  }
0xad: {  	[dreg:$0x0] =	wrdreg $0x60  }
0xae: {  	[dreg:$0x2] =	wrdreg s24  }
0xaf: {  	[dreg:$0x3] =	wrdreg $0xBF800  }
0xb0: {  	[dreg:$0x4] =	wrdreg $0x9  }
0xb1: {  	_ =	task.clear_ibuf [dreg:s6], $0x5FFFF;
	_ =	strace $0x90000049  }
0xb2: {  	s29 =	simm.s32 $0x9;
	_ =	strace $0x8000004B  }
0xb3: {  	_ =	swait.ge [sflag:s29], $0x1  }
0xb4: {  	[sflag:s29] =	ssyncadd.s32 $0xFFFFFFFF  }
0xb5: {  	_ =	strace $0x9000004B  }
0xb6: {  	_ =	sfence  }
0xb7: {  	s30 =	sld [smem:$0x0];
	_ =	sdelay $0x2  }
0xb8: {  	s31 =	sshll.u32 s1, $0xD;
	s1 =	sshrl.u32 s1, $0x2  }
0xb9: {  	s3 =	sand.u32 $0x4000, s31;
	s1 =	sadd.s32 s1, s30  }
0xba: {  	s0 =	sor.u32 s3, s0;
	s1 =	sshll.u32 s1, $0x11  }
0xbb: {  	s0 =	sor.u32 s1, s0  }
0xbc: {  	s0 =	sadd.s32 $0x8F2B, s0  }
0xbd: {  	[sflag:s0] =	ssyncadd.remote.s32 $0x1  }
0xbe: {  	_ =	sfence.sel $0xFFFF  }
0xbf: {  	[dreg:$0x0] =	wrdreg $0xFFFFFFFF;
	(pc) =	sbr.abs _section_cstart, $3  }
0xc0: {  	[dreg:$0x1] =	wrdreg $0xFFFFFFFF  }
0xc1: {  	_ =	task.clear_ibuf [dreg:s6], $0x2FFFF;
	_ =	strace $0x9FFFFFFF  }
0xc2: {  	(tm) =	ssettm $0x7FFFFFFF  }
0xc3: {  	_ =	shalt  }
tec
execute0_lowered:
.L_overlay_start_1:
0x0: {  	(tag) =	ssettag $0x1  }
0x1: {  	s1 =	srdreg.scid;
	s6 =	rddreg [dreg:$0x0]  }
0x2: {  	s0 =	stileid.u32;
	s2 =	rddreg [dreg:$0x1];
	s3 =	simm.s32 $0x0  }
0x3: {  	s19 =	simm.s32 $0x5F80;
	s20 =	simm.s32 $0x3;
	s21 =	simm.s32 $0x2780  }
0x4: {  	s22 =	simm.s32 $0x60;
	s23 =	simm.s32 $0x8F80;
	s24 =	simm.s32 $0x1  }
0x5: {  	s25 =	simm.s32 $0x2;
	s26 =	simm.s32 $0x5B80;
	s9 =	smul.u32 $0x14000, s0  }
0x6: {  	s5 =	sand.u32 $0x1, s1;
	s30 =	sshll.u32 s0, $0x1;
	s11 =	smul.u32 $0x50000, s0  }
0x7: {  	[smem:$0x7FF] =	sst s3;
	s4 =	sor.u32 s5, s30;
	s8 =	smul.u32 $0x140000, s5  }
0x8: {  	_ =	strace $0x8000004A;
	s5 =	ssub.s32 $0x2, s5;
	s7 =	smul.u32 $0x4EC, s4  }
0x9: {  	s4 =	smul.u32 $0x700, s4;
	s31 =	sshrl.u32 s5, $0x1;
	s11 =	sshrl.u32 s11, $0x2  }
0xa: {  	s8 =	sadd.s32 s9, s8;
	s9 =	ssub.s32 s5, s31;
	s5 =	sadd.s32 s11, s2  }
0xb: {  	s7 =	sadd.s32 s7, s6;
	s10 =	sadd.s32 s4, s6;
	s4 =	sadd.s32 $0x38600, s6  }
0xc: {  	s8 =	sshrl.u32 s8, $0x3;
	s9 =	smax.u32 s9, $0x1;
	s11 =	sadd.s32 $0x4000, s5  }
0xd: {  	s12 =	sadd.s32 $0x6000, s5;
	s13 =	sadd.s32 $0x8000, s5;
	s14 =	sadd.s32 $0xA000, s5  }
0xe: {  	s15 =	sadd.s32 $0xC000, s5;
	s16 =	sadd.s32 $0xE000, s5;
	s17 =	sadd.s32 $0x10000, s5  }
0xf: {  	s18 =	sadd.s32 $0x12000, s5;
	s8 =	sadd.s32 s8, s6;
	s6 =	sadd.s32 $0x2E800, s7  }
0x10: {  	v0 =	vimm.f32 $0.0e+00;
	s7 =	sadd.s32 $0x20800, s10;
	s10 =	sadd.s32 $0x2000, s5;
	s8 =	sadd.s32 $0x60600, s8  }
.LBB2_1:
0x11: {  	s28 =	simm.s32 $0x0;
	s29 =	simm.s32 $0x200  }
.LBB2_2:
0x12: {  	p0 =	sne.s32 s29, $0x7E00;
	[tilespmem:s28+$0x5FF0] =	vst v0  }
0x13: {  	[tilespmem:s28+$0x5F80] =	vst v0  }
0x14: {  	[tilespmem:s28+$0x5F90] =	vst v0  }
.Ltmp0:
0x15: {  	[tilespmem:s28+$0x5FA0] =	vst v0;
	(pc) =	sbr.rel @p0 .LBB2_2-.Ltmp0, $4  }
0x16: {  	[tilespmem:s28+$0x5FB0] =	vst v0  }
0x17: {  	[tilespmem:s28+$0x5FC0] =	vst v0  }
0x18: {  	[tilespmem:s28+$0x5FD0] =	vst v0  }
0x19: {  	[tilespmem:s28+$0x5FE0] =	vst v0;
	s28 =	sshra.s32 s29, $0x2;
	s29 =	sadd.s32 $0x200, s29  }
0x1a: {  	[tilespmem:s28+$0x5FF0] =	vst v0  }
0x1b: {  	[tilespmem:s28+$0x5F80] =	vst v0  }
0x1c: {  	[tilespmem:s28+$0x5F90] =	vst v0  }
0x1d: {  	[tilespmem:s28+$0x5FA0] =	vst v0  }
0x1e: {  	[tilespmem:s28+$0x5FB0] =	vst v0  }
0x1f: {  	[tilespmem:s28+$0x5FC0] =	vst v0  }
0x20: {  	[tilespmem:s28+$0x5FD0] =	vst v0  }
0x21: {  	[tilespmem:s28+$0x5FE0] =	vst v0  }
0x22: {  	[spmem:s5] =	stream.linear.scatter [tilespmem:s19], [sflag:$0x3], $0x2000, $0x38;
	[tilespmem:$0x1FF80] =	vst v63  }
0x23: {  	_ =	swait.ge [sflag:s20], $0x2000  }
0x24: {  	[sflag:s20] =	ssyncset.done $0x0  }
0x25: {  	[sflag:s20] =	ssyncadd.s32 $0xFFFFE000  }
0x26: {  	[spmem:s10] =	stream.linear.scatter [tilespmem:s19], [sflag:$0x3], $0x2000, $0x38;
	[tilespmem:$0x1FF80] =	vst v63  }
0x27: {  	_ =	swait.ge [sflag:s20], $0x2000  }
0x28: {  	[sflag:s20] =	ssyncset.done $0x0  }
0x29: {  	[sflag:s20] =	ssyncadd.s32 $0xFFFFE000  }
0x2a: {  	[spmem:s11] =	stream.linear.scatter [tilespmem:s19], [sflag:$0x3], $0x2000, $0x38;
	[tilespmem:$0x1FF80] =	vst v63  }
0x2b: {  	_ =	swait.ge [sflag:s20], $0x2000  }
0x2c: {  	[sflag:s20] =	ssyncset.done $0x0  }
0x2d: {  	[sflag:s20] =	ssyncadd.s32 $0xFFFFE000  }
0x2e: {  	[spmem:s12] =	stream.linear.scatter [tilespmem:s19], [sflag:$0x3], $0x2000, $0x38;
	[tilespmem:$0x1FF80] =	vst v63  }
0x2f: {  	_ =	swait.ge [sflag:s20], $0x2000  }
0x30: {  	[sflag:s20] =	ssyncset.done $0x0  }
0x31: {  	[sflag:s20] =	ssyncadd.s32 $0xFFFFE000  }
0x32: {  	[spmem:s13] =	stream.linear.scatter [tilespmem:s19], [sflag:$0x3], $0x2000, $0x38;
	[tilespmem:$0x1FF80] =	vst v63  }
0x33: {  	_ =	swait.ge [sflag:s20], $0x2000  }
0x34: {  	[sflag:s20] =	ssyncset.done $0x0  }
0x35: {  	[sflag:s20] =	ssyncadd.s32 $0xFFFFE000  }
0x36: {  	[spmem:s14] =	stream.linear.scatter [tilespmem:s19], [sflag:$0x3], $0x2000, $0x38;
	[tilespmem:$0x1FF80] =	vst v63  }
0x37: {  	_ =	swait.ge [sflag:s20], $0x2000  }
0x38: {  	[sflag:s20] =	ssyncset.done $0x0  }
0x39: {  	[sflag:s20] =	ssyncadd.s32 $0xFFFFE000  }
0x3a: {  	[spmem:s15] =	stream.linear.scatter [tilespmem:s19], [sflag:$0x3], $0x2000, $0x38;
	[tilespmem:$0x1FF80] =	vst v63  }
0x3b: {  	_ =	swait.ge [sflag:s20], $0x2000  }
0x3c: {  	[sflag:s20] =	ssyncset.done $0x0  }
0x3d: {  	[sflag:s20] =	ssyncadd.s32 $0xFFFFE000  }
0x3e: {  	[spmem:s16] =	stream.linear.scatter [tilespmem:s19], [sflag:$0x3], $0x2000, $0x38;
	[tilespmem:$0x1FF80] =	vst v63  }
0x3f: {  	_ =	swait.ge [sflag:s20], $0x2000  }
0x40: {  	[sflag:s20] =	ssyncset.done $0x0  }
0x41: {  	[sflag:s20] =	ssyncadd.s32 $0xFFFFE000  }
0x42: {  	[spmem:s17] =	stream.linear.scatter [tilespmem:s19], [sflag:$0x3], $0x2000, $0x38;
	[tilespmem:$0x1FF80] =	vst v63  }
0x43: {  	_ =	swait.ge [sflag:s20], $0x2000  }
0x44: {  	[sflag:s20] =	ssyncset.done $0x0  }
0x45: {  	[sflag:s20] =	ssyncadd.s32 $0xFFFFE000  }
0x46: {  	[spmem:s18] =	stream.linear.scatter [tilespmem:s19], [sflag:$0x3], $0x2000, $0x38;
	[tilespmem:$0x1FF80] =	vst v63  }
0x47: {  	_ =	swait.ge [sflag:s20], $0x2000  }
0x48: {  	[sflag:s20] =	ssyncset.done $0x0  }
0x49: {  	s28 =	simm.s32 $0x0;
	[sflag:s20] =	ssyncadd.s32 $0xFFFFE000  }
0x4a: {  	[tilespmem:s28], [sflag:$0x3] =	stream.linear.gather [hbm4b:s6+s28], $0x2760, $0x38;
	[tilespmem:$0x1FF80] =	vst v63  }
0x4b: {  	_ =	swait.ge [sflag:s20], $0x2760  }
0x4c: {  	[sflag:s20] =	ssyncset.done $0x0  }
0x4d: {  	[sflag:s20] =	ssyncadd.s32 $0xFFFFD8A0  }
0x4e: {  	[tilespmem:s21], [sflag:$0x3] =	stream.linear.gather [hbm4b:s7+s28], $0x3480, $0x38;
	[tilespmem:$0x1FF80] =	vst v63  }
0x4f: {  	_ =	swait.ge [sflag:s20], $0x3480  }
0x50: {  	[sflag:s20] =	ssyncset.done $0x0  }
0x51: {  	[sflag:s20] =	ssyncadd.s32 $0xFFFFCB80  }
0x52: {  	[bflag:$0x0] =	sbarrier.arrive $0xFFFF  }
0x53: {  	[tilespmem:s19], [sflag:$0x1] =	stream.indirect.gather [hbm4b:s4+s22], $0x80, s28, s22, $0xb8;
	[tilespmem:$0x1FF80] =	vst v63  }
0x54: {  	s28 =	simm.s32 $0x60  }
0x55: {  	[tilespmem:s23], [sflag:$0x2] =	stream.indirect.gather [hbm4b:s4+s22], $0x80, s28, s22, $0xb8;
	[tilespmem:$0x1FF80] =	vst v63  }
0x56: {  	_ =	swait.ge [sflag:s24], $0x3000  }
0x57: {  	[sflag:s24] =	ssyncset.done $0x0  }
0x58: {  	s28 =	simm.s32 $0x2780;
	[sflag:s24] =	ssyncadd.s32 $0xFFFFD000  }
0x59: {  	[spmem:s2] =	stream.indirect.scatter.add.f32 [tilespmem:s19], [sflag:$0x3], $0x80, s28, s22, $0xb8;
	[tilespmem:$0x1FF80] =	vst v63  }
0x5a: {  	_ =	swait.ge [sflag:s20], $0x3000  }
0x5b: {  	[sflag:s20] =	ssyncset.done $0x0  }
0x5c: {  	s28 =	simm.s32 $0xC0;
	[sflag:s20] =	ssyncadd.s32 $0xFFFFD000  }
0x5d: {  	[tilespmem:s19], [sflag:$0x1] =	stream.indirect.gather [hbm4b:s4+s22], $0x80, s28, s22, $0xb8;
	[tilespmem:$0x1FF80] =	vst v63  }
0x5e: {  	_ =	swait.ge [sflag:s25], $0x3000  }
0x5f: {  	[sflag:s25] =	ssyncset.done $0x0  }
0x60: {  	s28 =	simm.s32 $0x2800;
	[sflag:s25] =	ssyncadd.s32 $0xFFFFD000  }
0x61: {  	[spmem:s2] =	stream.indirect.scatter.add.f32 [tilespmem:s23], [sflag:$0x3], $0x80, s28, s22, $0xb8;
	[tilespmem:$0x1FF80] =	vst v63  }
0x62: {  	s29 =	simm.s32 $0x400;
	_ =	swait.ge [sflag:s20], $0x3000  }
0x63: {  	s30 =	simm.s32 $0x800;
	s28 =	simm.s32 $0x180;
	[sflag:s20] =	ssyncset.done $0x0  }
.LBB2_4:
0x64: {  	p0 =	sne.s32 s30, $0xCC00;
	s31 =	sadd.s32 $0xFFFFFFA0, s28;
	[sflag:s20] =	ssyncadd.s32 $0xFFFFD000  }
0x65: {  	[tilespmem:s23], [sflag:$0x2] =	stream.indirect.gather [hbm4b:s4+s22], $0x80, s31, s22, $0xb8;
	[tilespmem:$0x1FF80] =	vst v63  }
0x66: {  	s31 =	smov.u32 s30;
	s30 =	sadd.s32 $0x400, s30;
	_ =	swait.ge [sflag:s24], $0x3000  }
0x67: {  	s1 =	sshra.s32 s29, $0x2;
	s29 =	smov.u32 s31;
	[sflag:s24] =	ssyncset.done $0x0  }
0x68: {  	s31 =	sadd.s32 $0x2780, s1;
	[sflag:s24] =	ssyncadd.s32 $0xFFFFD000  }
0x69: {  	[spmem:s2] =	stream.indirect.scatter.add.f32 [tilespmem:s19], [sflag:$0x3], $0x80, s31, s22, $0xb8;
	[tilespmem:$0x1FF80] =	vst v63  }
0x6a: {  	_ =	swait.ge [sflag:s20], $0x3000  }
0x6b: {  	[sflag:s20] =	ssyncset.done $0x0  }
0x6c: {  	[sflag:s20] =	ssyncadd.s32 $0xFFFFD000  }
0x6d: {  	[tilespmem:s19], [sflag:$0x1] =	stream.indirect.gather [hbm4b:s4+s22], $0x80, s28, s22, $0xb8;
	[tilespmem:$0x1FF80] =	vst v63  }
0x6e: {  	_ =	swait.ge [sflag:s25], $0x3000  }
.Ltmp1:
0x6f: {  	[sflag:s25] =	ssyncset.done $0x0;
	(pc) =	sbr.rel @p0 .LBB2_4-.Ltmp1, $4  }
0x70: {  	s1 =	sadd.s32 $0x2800, s1;
	[sflag:s25] =	ssyncadd.s32 $0xFFFFD000  }
0x71: {  	[spmem:s2] =	stream.indirect.scatter.add.f32 [tilespmem:s23], [sflag:$0x3], $0x80, s1, s22, $0xb8;
	[tilespmem:$0x1FF80] =	vst v63  }
0x72: {  	_ =	swait.ge [sflag:s20], $0x3000  }
0x73: {  	s28 =	sadd.s32 $0xC0, s28;
	[sflag:s20] =	ssyncset.done $0x0  }
0x74: {  	s1 =	sadd.s32 $0xFFFFFFA0, s28;
	[sflag:s20] =	ssyncadd.s32 $0xFFFFD000  }
0x75: {  	[tilespmem:s23], [sflag:$0x2] =	stream.indirect.gather [hbm4b:s4+s22], $0x80, s1, s22, $0xb8;
	[tilespmem:$0x1FF80] =	vst v63  }
0x76: {  	_ =	swait.ge [sflag:s24], $0x3000  }
0x77: {  	s31 =	sshra.s32 s29, $0x2;
	[sflag:s24] =	ssyncset.done $0x0  }
0x78: {  	s29 =	sadd.s32 $0x2780, s31;
	[sflag:s24] =	ssyncadd.s32 $0xFFFFD000  }
0x79: {  	[spmem:s2] =	stream.indirect.scatter.add.f32 [tilespmem:s19], [sflag:$0x3], $0x80, s29, s22, $0xb8;
	[tilespmem:$0x1FF80] =	vst v63  }
0x7a: {  	_ =	swait.ge [sflag:s20], $0x3000  }
0x7b: {  	[sflag:s20] =	ssyncset.done $0x0  }
0x7c: {  	[sflag:s20] =	ssyncadd.s32 $0xFFFFD000  }
0x7d: {  	[tilespmem:s19], [sflag:$0x1] =	stream.indirect.gather [hbm4b:s4+s22], $0x80, s28, s22, $0xb8;
	[tilespmem:$0x1FF80] =	vst v63  }
0x7e: {  	_ =	swait.ge [sflag:s25], $0x3000  }
0x7f: {  	[sflag:s25] =	ssyncset.done $0x0  }
0x80: {  	s1 =	sadd.s32 $0x2800, s31;
	[sflag:s25] =	ssyncadd.s32 $0xFFFFD000  }
0x81: {  	[spmem:s2] =	stream.indirect.scatter.add.f32 [tilespmem:s23], [sflag:$0x3], $0x80, s1, s22, $0xb8;
	[tilespmem:$0x1FF80] =	vst v63  }
0x82: {  	_ =	swait.ge [sflag:s20], $0x3000  }
0x83: {  	[sflag:s20] =	ssyncset.done $0x0  }
0x84: {  	[sflag:s20] =	ssyncadd.s32 $0xFFFFD000  }
0x85: {  	_ =	swait.ge [sflag:s24], $0x3000  }
0x86: {  	[sflag:s24] =	ssyncset.done $0x0  }
0x87: {  	[sflag:s24] =	ssyncadd.s32 $0xFFFFD000  }
0x88: {  	[spmem:s2] =	stream.indirect.scatter.add.f32 [tilespmem:s19], [sflag:$0x3], $0x80, s26, s22, $0xb8;
	[tilespmem:$0x1FF80] =	vst v63  }
0x89: {  	_ =	swait.ge [sflag:s20], $0x3000  }
0x8a: {  	s30 =	sshll.u32 s0, $0x6;
	s3 =	sadd.s32 $0x1, s3;
	[sflag:s20] =	ssyncset.done $0x0  }
0x8b: {  	s31 =	sshrl.u32 s5, $0x3;
	p0 =	sne.s32 s3, s9;
	[sflag:s20] =	ssyncadd.s32 $0xFFFFD000  }
.Ltmp2:
0x8c: {  	s1 =	sor.u32 $0x1C03, s30;
	[bflag:$0x0] =	sbarrier.arrive $0xFFFF;
	(pc) =	sbr.rel @p0 .LBB2_1-.Ltmp2, $4  }
0x8d: {  	[hbm:s8], [sflag:s1] =	dma.local [spmem:s31], $0x2800  }
0x8e: {  	_ =	swait.ge [sflag:s20], $0x2800  }
0x8f: {  	[sflag:s20] =	ssyncset.done $0x0  }
0x90: {  	[sflag:s20] =	ssyncadd.s32 $0xFFFFD800  }
0x91: {  	_ =	sfence.sel $0x180000  }
0x92: {  	[bflag:$0x0] =	sbarrier.arrive $0xFFFF  }
0x93: {  	_ =	strace $0x9000004A  }
0x94: {  	[bflag:$0x2] =	sbarrier.arrive $0xFFFF  }
0x95: {  	p0 =	sne.s32 s0, $0x0;
	s0 =	rddreg [dreg:$0x2]  }
0x96: {  	s0 =	sadd.s32 @!p0 $0x100000, s0  }
0x97: {  	[sflag:s0] =	ssyncadd.tile.s32 @!p0 $0x1;
	_ =	shalt  }
.Lfunc_end2:
_tile_overlayer_lowered:
.L_overlay_start_2:
0x98: {  	(tag) =	ssettag $0x2  }
0x99: {  	s0 =	rddreg [dreg:$0x0];
	s2 =	stileid.u32  }
0x9a: {  	s1 =	rddreg [dreg:$0x1];
	p0 =	sne.s32 s2, $0x0  }
0x9b: {  	s3 =	rddreg [dreg:$0x2];
	[bflag:$0x3] =	sbarrier.arrive $0xFFFF;
	s2 =	simm.s32 @!p0 $0x1C03  }
0x9c: {  	[timem:s3], [sflag:s2] =	dma.local @!p0 [hbm:s0], s1  }
0x9d: {  	s0 =	simm.s32 @!p0 $0x3  }
0x9e: {  	_ =	swait.ge @!p0 [sflag:s0], s1  }
0x9f: {  	s1 =	ssub.s32 @!p0 $0x0, s1;
	[sflag:s0] =	ssyncset.done @!p0 $0x0  }
0xa0: {  	[sflag:s0] =	ssyncadd.s32 @!p0 s1  }
0xa1: {  	[bflag:$0x3] =	sbarrier.arrive $0xFFFF  }
0xa2: {  	_ =	shalt  }

// kernel: kernel.14.cloned.1.call-start
scs
__scs_entry_jumppad:
0x0: {  	(pc) =	sbr.rel $0x88, $3  }
0x1: {  	(tag) =	ssettag $0x0;
	lr =	simm.s32 $0x1  }
0x2: {  	[smem:$0x3F9B] =	sst lr;
	_ =	strace $0xD0000000  }
0x3: {  	_ = 	snop  }
0x4: {  	_ = 	snop  }
0x5: {  	_ = 	snop  }
0x6: {  	_ = 	snop  }
0x7: {  	_ = 	snop  }
__scs_overlays_trampoline_lowered:
0x8: {  	[smem:$0x3FAA] =	sst s0  }
0x9: {  	[smem:$0x3FAB] =	sst s1  }
0xa: {  	[smem:$0x3FAC] =	sst s2  }
0xb: {  	[smem:$0x3FAD] =	sst s3  }
0xc: {  	[smem:$0x3FAE] =	sst s4  }
0xd: {  	[smem:$0x3FAF] =	sst s5  }
0xe: {  	[smem:$0x3FB0] =	sst s6  }
0xf: {  	[smem:$0x3FB1] =	sst s7  }
0x10: {  	[smem:$0x3FB2] =	sst s8  }
0x11: {  	[smem:$0x3FB3] =	sst s9;
	s0 =	simm.s32 @!p0 $0x0  }
0x12: {  	s1 =	sld [smem:$0x3F99];
	s0 =	simm.s32 @p0 $0x1  }
0x13: {  	[smem:$0x3FB4] =	sst s0;
	s0 =	simm.s32 @!p1 $0x0  }
0x14: {  	s2 =	sld [smem:$0x3F98];
	s0 =	simm.s32 @p1 $0x1  }
0x15: {  	[smem:$0x3FB5] =	sst s0;
	s0 =	simm.s32 @!p2 $0x0  }
0x16: {  	s3 =	sld [smem:$0x3FDB];
	s0 =	simm.s32 @p2 $0x1  }
0x17: {  	s4 =	simm.s32 $0x1BF5;
	[smem:$0x3FB7] =	sst s0  }
0x18: {  	s0 =	sld [smem:$0x3F9A];
	_ =	swait.ge [sflag:s4], $0x0  }
0x19: {  	s7 =	sld [smem:$0x3F9B]  }
0x1a: {  	s8 =	sadd.s32 $0xFFFFE003, lr  }
0x1b: {  	s9 =	sadd.s32 $0xFFFFFEF7, lr;
	s5 =	simm.s32 $0xFFFFFFFF;
	p2 =	slt.u32 s8, $0xFFFFF086  }
0x1c: {  	p1 =	slt.u32 s9, $0xF7A;
	s5 =	simm.s32 @!p2 $0x0  }
0x1d: {  	s5 =	simm.s32 @p1 $0x1;
	p0 =	seq.s32 s7, s2  }
0x1e: {  	s7 =	smul.u32 @!p0 $0xF7A, s2;
	p2 =	seq.s32 @!p0 s5, $0x0  }
0x1f: {  	s9 =	smul.u32 $0xF7A, s1;
	s8 =	simm.s32 @!p0 $0x1BF5;
	p2 =	por !p2, p0  }
0x20: {  	[sflag:s8] =	ssyncset.s32 @!p0 $0xFFFFF086;
	s6 =	sadd.s32 @!p0 s3, s7;
	s7 =	simm.s32 @!p0 $0x108  }
0x21: {  	s3 =	sadd.s32 s3, s9;
	s6 =	sadd.s32 @!p0 $0x88, s6;
	s7 =	simm.s32 @p2 $0x1082  }
0x22: {  	[simem:s7], [sflag:s8] =	dma.local @!p0 [hbm:s6], $0xF7A  }
0x23: {  	s9 =	sor.u32 $0xD0000000, s2;
	s6 =	simm.s32 $0x108;
	_ =	swait.ge @!p0 [sflag:s8], $0x0  }
0x24: {  	s3 =	sadd.s32 $0x88, s3;
	s6 =	simm.s32 @!p1 $0x1082;
	[sflag:s4] =	ssyncset.s32 $0xFFFFF086  }
0x25: {  	[simem:s6], [sflag:s4] =	dma.local [hbm:s3], $0xF7A  }
0x26: {  	[smem:$0x3F9B] =	sst s1;
	(tag) =	ssettag s2;
	_ =	strace s9  }
0x27: {  	s1 =	sld [smem:$0x3FAB]  }
0x28: {  	s2 =	sld [smem:$0x3FAC]  }
0x29: {  	s4 =	sld [smem:$0x3FAE]  }
0x2a: {  	p0 =	seq.s32 s5, $0x0;
	s5 =	sld [smem:$0x3FAF]  }
0x2b: {  	s6 =	sld [smem:$0x3FB0]  }
0x2c: {  	s7 =	sld [smem:$0x3FB1]  }
0x2d: {  	s3 =	simm.s32 $0x108;
	s8 =	sld [smem:$0x3FB2]  }
0x2e: {  	s3 =	simm.s32 @!p0 $0x1082;
	s9 =	sld [smem:$0x3FB3]  }
0x2f: {  	lr =	sadd.s32 s0, s3;
	s0 =	sld [smem:$0x3FAA]  }
0x30: {  	s3 =	sld [smem:$0x3FAD]  }
0x31: {  	[smem:$0x3FB6] =	sst s10  }
0x32: {  	s10 =	sld [smem:$0x3FB4];
	_ =	sdelay $0x3  }
0x33: {  	p0 =	seq.s32 s10, $0x1;
	s10 =	sld [smem:$0x3FB6];
	_ =	sdelay $0x3  }
0x34: {  	[smem:$0x3FB6] =	sst s10  }
0x35: {  	s10 =	sld [smem:$0x3FB5];
	_ =	sdelay $0x3  }
0x36: {  	p1 =	seq.s32 s10, $0x1;
	s10 =	sld [smem:$0x3FB6];
	_ =	sdelay $0x3  }
0x37: {  	[smem:$0x3FB6] =	sst s10  }
0x38: {  	s10 =	sld [smem:$0x3FB7]  }
0x39: {  	_ = 	snop;
	(pc) =	sbr.ind lr, $3  }
0x3a: {  	_ = 	snop  }
0x3b: {  	_ = 	snop  }
0x3c: {  	p2 =	seq.s32 s10, $0x1;
	s10 =	sld [smem:$0x3FB6]  }
0x3d: {  	_ =	shalt  }
0x3e: {  	_ =	shalt  }
0x3f: {  	_ =	shalt  }
0x40: {  	_ =	shalt  }
0x41: {  	_ =	shalt  }
0x42: {  	_ =	shalt  }
0x43: {  	_ =	shalt  }
0x44: {  	_ =	shalt  }
0x45: {  	_ =	shalt  }
0x46: {  	_ =	shalt  }
0x47: {  	_ =	shalt  }
0x48: {  	_ =	shalt  }
0x49: {  	_ =	shalt  }
0x4a: {  	_ =	shalt  }
0x4b: {  	_ =	shalt  }
0x4c: {  	_ =	shalt  }
0x4d: {  	_ =	shalt  }
0x4e: {  	_ =	shalt  }
0x4f: {  	_ =	shalt  }
0x50: {  	_ =	shalt  }
0x51: {  	_ =	shalt  }
0x52: {  	_ =	shalt  }
0x53: {  	_ =	shalt  }
0x54: {  	_ =	shalt  }
0x55: {  	_ =	shalt  }
0x56: {  	_ =	shalt  }
0x57: {  	_ =	shalt  }
0x58: {  	_ =	shalt  }
0x59: {  	_ =	shalt  }
0x5a: {  	_ =	shalt  }
0x5b: {  	_ =	shalt  }
0x5c: {  	_ =	shalt  }
0x5d: {  	_ =	shalt  }
0x5e: {  	_ =	shalt  }
0x5f: {  	_ =	shalt  }
0x60: {  	_ =	shalt  }
0x61: {  	_ =	shalt  }
0x62: {  	_ =	shalt  }
0x63: {  	_ =	shalt  }
0x64: {  	_ =	shalt  }
0x65: {  	_ =	shalt  }
0x66: {  	_ =	shalt  }
0x67: {  	_ =	shalt  }
0x68: {  	_ =	shalt  }
0x69: {  	_ =	shalt  }
0x6a: {  	_ =	shalt  }
0x6b: {  	_ =	shalt  }
0x6c: {  	_ =	shalt  }
0x6d: {  	_ =	shalt  }
0x6e: {  	_ =	shalt  }
0x6f: {  	_ =	shalt  }
0x70: {  	_ =	shalt  }
0x71: {  	_ =	shalt  }
0x72: {  	_ =	shalt  }
0x73: {  	_ =	shalt  }
0x74: {  	_ =	shalt  }
0x75: {  	_ =	shalt  }
0x76: {  	_ =	shalt  }
0x77: {  	_ =	shalt  }
0x78: {  	_ =	shalt  }
0x79: {  	_ =	shalt  }
0x7a: {  	_ =	shalt  }
0x7b: {  	_ =	shalt  }
0x7c: {  	_ =	shalt  }
0x7d: {  	_ =	shalt  }
0x7e: {  	_ =	shalt  }
0x7f: {  	_ =	shalt  }
0x80: {  	_ =	shalt  }
0x81: {  	_ =	shalt  }
0x82: {  	_ =	shalt  }
0x83: {  	_ =	shalt  }
0x84: {  	_ =	shalt  }
0x85: {  	_ =	shalt  }
0x86: {  	_ =	shalt  }
0x87: {  	_ =	shalt  }
.Lfunc_end0:
.L_simem_size_0:
called_computation.2_lowered:
.L_overlay_start_0:
0x88: {  	s2 =	sld [smem:$0x3FD9]  }
0x89: {  	s3 =	sld [smem:$0x3FFE];
	_ =	sdelay $0x1  }
0x8a: {  	s1 =	srdreg.scid  }
0x8b: {  	s0 =	sand.u32 $0x1, s1  }
0x8c: {  	s16 =	sshll.u32 s0, $0xA;
	s2 =	sadd.s32 s3, s2  }
0x8d: {  	s2 =	sadd.s32 s2, s16  }
0x8e: {  	[smem:$0x3FC2] =	sst s2  }
0x8f: {  	_ = 	snop  }
0x90: {  	(tm) =	ssettm $0x1  }
0x91: {  	s17 =	sld [smem:$0x3FFB];
	_ =	sdelay $0x3  }
0x92: {  	_ =	strace s17  }
0x93: {  	s2 =	sld [smem:$0x3FFC];
	_ =	sdelay $0x3  }
0x94: {  	_ =	strace s2  }
0x95: {  	s2 =	sld [smem:$0x3FFD];
	_ =	sdelay $0x3  }
0x96: {  	_ =	strace s2  }
0x97: {  	_ =	strace $0x8FFFFFFF  }
0x98: {  	s18 =	sld [smem:$0x3FDB];
	_ =	sdelay $0x1  }
0x99: {  	s19 =	simm.s32 $_scs_section_size  }
0x9a: {  	s4 =	simm.s32 $_size__tile_overlayer_lowered;
	s5 =	simm.s32 $_tile_overlayer_lowered  }
0x9b: {  	s22 =	simm.s32 $0x1BFF;
	s21 =	sshll.u32 s5, $0x1;
	s2 =	sadd.s32 s19, s18  }
0x9c: {  	s6 =	simm.s32 $0x0;
	s20 =	sshll.u32 s4, $0x1;
	s4 =	sadd.s32 s21, s2  }
0x9d: {  	[timem:s6], [sflag:s22] =	dma.local [hbm:s4], s20  }
0x9e: {  	_ =	swait.ge [sflag:s22], s20  }
0x9f: {  	s3 =	ssub.s32 $0x0, s20;
	[sflag:s22] =	ssyncset.done $0x0  }
0xa0: {  	[sflag:s22] =	ssyncadd.s32 s3;
	_ =	sdelay $0x1  }
0xa1: {  	s23 =	simm.s32 $0x1B8B  }
0xa2: {  	_ =	swait.ge [sflag:s23], $0x1  }
0xa3: {  	[sflag:s23] =	ssyncset.done $0x0  }
0xa4: {  	s25 =	simm.s32 $0x1B8E;
	s24 =	sld [smem:$0x3FFE];
	[sflag:s23] =	ssyncadd.s32 $0xFFFFFFFF  }
0xa5: {  	s26 =	simm.s32 $execute0_lowered;
	[smem:$0x3FD2] =	sst s25  }
0xa6: {  	s4 =	sshll.u32 s26, $0x1;
	_ =	strace $0x8000004C;
	[dreg:$0x1] =	wrdreg $0xFFFFFFFF  }
0xa7: {  	s28 =	simm.s32 $_size_execute0_lowered;
	s2 =	sadd.s32 s2, s4;
	[dreg:$0x0] =	wrdreg $0x0  }
0xa8: {  	s4 =	sshll.u32 s28, $0x1;
	[dreg:$0x2] =	wrdreg s2  }
0xa9: {  	[dreg:$0x3] =	wrdreg s4  }
0xaa: {  	[dreg:$0x4] =	wrdreg $0xC0  }
0xab: {  	_ =	task [dreg:s6], $0x5FFFF  }
0xac: {  	[dreg:$0x1] =	wrdreg $0xFFFFFFFF  }
0xad: {  	[dreg:$0x0] =	wrdreg $0x60  }
0xae: {  	[dreg:$0x2] =	wrdreg s24  }
0xaf: {  	[dreg:$0x3] =	wrdreg $0x9  }
0xb0: {  	_ =	task.clear_ibuf [dreg:s6], $0x4FFFF;
	_ =	strace $0x9000004C  }
0xb1: {  	s29 =	simm.s32 $0x9;
	_ =	strace $0x8000004E  }
0xb2: {  	_ =	swait.ge [sflag:s29], $0x1  }
0xb3: {  	[sflag:s29] =	ssyncadd.s32 $0xFFFFFFFF  }
0xb4: {  	_ =	strace $0x9000004E  }
0xb5: {  	_ =	sfence  }
0xb6: {  	s30 =	sld [smem:$0x0];
	_ =	sdelay $0x2  }
0xb7: {  	s31 =	sshll.u32 s1, $0xD;
	s1 =	sshrl.u32 s1, $0x2  }
0xb8: {  	s3 =	sand.u32 $0x4000, s31;
	s1 =	sadd.s32 s1, s30  }
0xb9: {  	s0 =	sor.u32 s3, s0;
	s1 =	sshll.u32 s1, $0x11  }
0xba: {  	s0 =	sor.u32 s1, s0  }
0xbb: {  	s0 =	sadd.s32 $0x8F2B, s0  }
0xbc: {  	[sflag:s0] =	ssyncadd.remote.s32 $0x1  }
0xbd: {  	_ =	sfence.sel $0xFFFF  }
0xbe: {  	[dreg:$0x0] =	wrdreg $0xFFFFFFFF;
	(pc) =	sbr.abs _section_cstart, $3  }
0xbf: {  	[dreg:$0x1] =	wrdreg $0xFFFFFFFF  }
0xc0: {  	_ =	task.clear_ibuf [dreg:s6], $0x2FFFF;
	_ =	strace $0x9FFFFFFF  }
0xc1: {  	(tm) =	ssettm $0x7FFFFFFF  }
tec
execute0_lowered:
.L_overlay_start_1:
0x0: {  	(tag) =	ssettag $0x1  }
0x1: {  	s1 =	srdreg.scid  }
0x2: {  	s0 =	stileid.u32;
	s4 =	rddreg [dreg:$0x0]  }
0x3: {  	s10 =	simm.s32 $0x4F00;
	s11 =	simm.s32 $0x7700;
	s12 =	simm.s32 $0x80  }
0x4: {  	s13 =	simm.s32 $0x400;
	s3 =	sand.u32 $0x1, s1;
	s2 =	sshll.u32 s0, $0x1  }
0x5: {  	s1 =	rddreg [dreg:$0x1];
	s7 =	sshrl.u32 s0, $0x2;
	s5 =	sor.u32 s3, s2  }
0x6: {  	s2 =	simm.s32 $0x0;
	s7 =	smul.u32 $0x14000, s7;
	s31 =	ssub.s32 $0x2, s3  }
0x7: {  	s3 =	sadd.s32 $0x16800, s4;
	s6 =	smul.u32 $0x4E2, s5;
	s5 =	sshll.u32 s5, $0x7  }
0x8: {  	[smem:$0x7FF] =	sst s2;
	s8 =	sshrl.u32 s31, $0x1;
	s5 =	sand.u32 $0x380, s5  }
0x9: {  	_ =	strace $0x8000004D;
	s6 =	sadd.s32 s6, s4;
	s5 =	sor.u32 s7, s5  }
0xa: {  	s7 =	ssub.s32 s31, s8;
	s8 =	simm.s32 $0x1;
	s5 =	sshrl.u32 s5, $0x3  }
0xb: {  	s7 =	smax.u32 s7, $0x1;
	s9 =	sadd.s32 s5, s4;
	s4 =	sadd.s32 $0xCA00, s6  }
0xc: {  	v0 =	vimm.f32 $0.0e+00;
	s5 =	sadd.s32 $0x2C00, s6;
	s6 =	sadd.s32 $0x16E00, s9;
	s9 =	simm.s32 $0x2780  }
.LBB2_1:
0xd: {  	s14 =	simm.s32 $0x40;
	s15 =	simm.s32 $0x0  }
.LBB2_2:
0xe: {  	p0 =	sne.s32 s14, $0x9FC0;
	[tilespmem:s15+$0x7700] =	vst v0;
	s15 =	smov.u32 s14;
	s14 =	sadd.s32 $0x40, s14  }
.Ltmp0:
0xf: {  	(pc) =	sbr.rel @p0 .LBB2_2-.Ltmp0, $2  }
0x10: {  	_ =	sdelay $0x2  }
0x11: {  	s15 =	sshra.s32 s15, $0x2  }
0x12: {  	[tilespmem:s15+$0x7700] =	vst v0;
	s14 =	simm.s32 $0x0  }
0x13: {  	[tilespmem:s14], [sflag:$0x1] =	stream.linear.gather [hbm4b:s4+s14], $0x2710, $0x38;
	[tilespmem:$0x9F00] =	vst v63  }
0x14: {  	_ =	swait.ge [sflag:s8], $0x2710  }
0x15: {  	[sflag:s8] =	ssyncset.done $0x0  }
0x16: {  	[sflag:s8] =	ssyncadd.s32 $0xFFFFD8F0  }
0x17: {  	[tilespmem:s9], [sflag:$0x1] =	stream.linear.gather [hbm4b:s5+s14], $0x2710, $0x38;
	[tilespmem:$0x9F00] =	vst v63  }
0x18: {  	_ =	swait.ge [sflag:s8], $0x2710  }
0x19: {  	[sflag:s8] =	ssyncset.done $0x0  }
0x1a: {  	[sflag:s8] =	ssyncadd.s32 $0xFFFFD8F0  }
0x1b: {  	[tilespmem:s10], [sflag:$0x1] =	stream.linear.gather [hbm4b:s3+s14], $0x2800, $0x38;
	[tilespmem:$0x9F00] =	vst v63  }
0x1c: {  	_ =	swait.ge [sflag:s8], $0x2800  }
0x1d: {  	[sflag:s8] =	ssyncset.done $0x0  }
0x1e: {  	s15 =	simm.s32 $0x0;
	s14 =	simm.s32 $0x40;
	[sflag:s8] =	ssyncadd.s32 $0xFFFFD800  }
.LBB2_4:
0x1f: {  	p0 =	sne.s32 s14, $0x9C00;
	v1 =	vld [tilespmem:s15+$0x0];
	_ =	sdelay $0x5  }
0x20: {  	v2 =	vld [tilespmem:s15+$0x2780];
	_ =	sdelay $0x1  }
0x21: {  	v1 =	vld.idx.msk [tilespmem:v1+s10+$0x0], $0xffff;
	_ =	sdelay $0x1  }
.Ltmp1:
0x22: {  	(pc) =	sbr.rel @p0 .LBB2_4-.Ltmp1, $2  }
0x23: {  	_ =	sdelay $0x2  }
0x24: {  	s15 =	sshra.s32 s14, $0x2;
	s14 =	sadd.s32 $0x40, s14;
	[tilespmem:v2+s11+$0x0] =	vst.idx.add.f32.msk $0xffff, v1  }
0x25: {  	v1 =	vld [tilespmem:s15+$0x0];
	_ =	sdelay $0x4  }
0x26: {  	v2 =	vld [tilespmem:s15+$0x2780];
	_ =	sdelay $0x2  }
0x27: {  	v1 =	vld.idx.msk [tilespmem:v1+s10+$0x0], $0xffff;
	_ =	sdelay $0x2  }
0x28: {  	s2 =	sadd.s32 $0x1, s2  }
0x29: {  	p0 =	sne.s32 s2, s7  }
.Ltmp2:
0x2a: {  	[tilespmem:v2+s11+$0x0] =	vst.idx.add.f32.msk $0xffff, v1;
	(pc) =	sbr.rel @p0 .LBB2_1-.Ltmp2, $4  }
0x2b: {  	[hbm4b:s6+s12] =	stream.strided.scatter [tilespmem:s11], [sflag:$0x1], $0x2800, s13, s12, $0x38;
	[tilespmem:$0x9F00] =	vst v63  }
0x2c: {  	_ =	swait.ge [sflag:s8], $0x2800  }
0x2d: {  	[sflag:s8] =	ssyncset.done $0x0  }
0x2e: {  	[sflag:s8] =	ssyncadd.s32 $0xFFFFD800  }
0x2f: {  	_ =	sfence.sel $0x180000  }
0x30: {  	[bflag:$0x0] =	sbarrier.arrive $0xFFFF  }
0x31: {  	p0 =	sne.s32 s0, $0x0;
	_ =	strace $0x9000004D  }
0x32: {  	s0 =	sadd.s32 @!p0 $0x100000, s1;
	[bflag:$0x2] =	sbarrier.arrive $0xFFFF  }
0x33: {  	[sflag:s0] =	ssyncadd.tile.s32 @!p0 $0x1;
	_ =	shalt  }
.Lfunc_end2:
_tile_overlayer_lowered:
.L_overlay_start_2:
0x34: {  	(tag) =	ssettag $0x2  }
0x35: {  	s0 =	rddreg [dreg:$0x0];
	s2 =	stileid.u32  }
0x36: {  	s1 =	rddreg [dreg:$0x1];
	p0 =	sne.s32 s2, $0x0  }
0x37: {  	s3 =	rddreg [dreg:$0x2];
	[bflag:$0x3] =	sbarrier.arrive $0xFFFF;
	s2 =	simm.s32 @!p0 $0x1C01  }
0x38: {  	[timem:s3], [sflag:s2] =	dma.local @!p0 [hbm:s0], s1  }
0x39: {  	s0 =	simm.s32 @!p0 $0x1  }
0x3a: {  	_ =	swait.ge @!p0 [sflag:s0], s1  }
0x3b: {  	s1 =	ssub.s32 @!p0 $0x0, s1;
	[sflag:s0] =	ssyncset.done @!p0 $0x0  }
0x3c: {  	[sflag:s0] =	ssyncadd.s32 @!p0 s1  }
0x3d: {  	[bflag:$0x3] =	sbarrier.arrive $0xFFFF  }
0x3e: {  	_ =	shalt  }

// kernel: kernel.8.cloned.1.call-start
scs
__scs_entry_jumppad:
0x0: {  	(pc) =	sbr.rel $0x88, $3  }
0x1: {  	(tag) =	ssettag $0x0;
	lr =	simm.s32 $0x1  }
0x2: {  	[smem:$0x3F9B] =	sst lr;
	_ =	strace $0xD0000000  }
0x3: {  	_ = 	snop  }
0x4: {  	_ = 	snop  }
0x5: {  	_ = 	snop  }
0x6: {  	_ = 	snop  }
0x7: {  	_ = 	snop  }
__scs_overlays_trampoline_lowered:
0x8: {  	[smem:$0x3FAA] =	sst s0  }
0x9: {  	[smem:$0x3FAB] =	sst s1  }
0xa: {  	[smem:$0x3FAC] =	sst s2  }
0xb: {  	[smem:$0x3FAD] =	sst s3  }
0xc: {  	[smem:$0x3FAE] =	sst s4  }
0xd: {  	[smem:$0x3FAF] =	sst s5  }
0xe: {  	[smem:$0x3FB0] =	sst s6  }
0xf: {  	[smem:$0x3FB1] =	sst s7  }
0x10: {  	[smem:$0x3FB2] =	sst s8  }
0x11: {  	[smem:$0x3FB3] =	sst s9;
	s0 =	simm.s32 @!p0 $0x0  }
0x12: {  	s1 =	sld [smem:$0x3F99];
	s0 =	simm.s32 @p0 $0x1  }
0x13: {  	[smem:$0x3FB4] =	sst s0;
	s0 =	simm.s32 @!p1 $0x0  }
0x14: {  	s2 =	sld [smem:$0x3F98];
	s0 =	simm.s32 @p1 $0x1  }
0x15: {  	[smem:$0x3FB5] =	sst s0;
	s0 =	simm.s32 @!p2 $0x0  }
0x16: {  	s3 =	sld [smem:$0x3FDB];
	s0 =	simm.s32 @p2 $0x1  }
0x17: {  	s4 =	simm.s32 $0x1BF5;
	[smem:$0x3FB7] =	sst s0  }
0x18: {  	s0 =	sld [smem:$0x3F9A];
	_ =	swait.ge [sflag:s4], $0x0  }
0x19: {  	s7 =	sld [smem:$0x3F9B]  }
0x1a: {  	s8 =	sadd.s32 $0xFFFFE003, lr  }
0x1b: {  	s9 =	sadd.s32 $0xFFFFFEF7, lr;
	s5 =	simm.s32 $0xFFFFFFFF;
	p2 =	slt.u32 s8, $0xFFFFF086  }
0x1c: {  	p1 =	slt.u32 s9, $0xF7A;
	s5 =	simm.s32 @!p2 $0x0  }
0x1d: {  	s5 =	simm.s32 @p1 $0x1;
	p0 =	seq.s32 s7, s2  }
0x1e: {  	s7 =	smul.u32 @!p0 $0xF7A, s2;
	p2 =	seq.s32 @!p0 s5, $0x0  }
0x1f: {  	s9 =	smul.u32 $0xF7A, s1;
	s8 =	simm.s32 @!p0 $0x1BF5;
	p2 =	por !p2, p0  }
0x20: {  	[sflag:s8] =	ssyncset.s32 @!p0 $0xFFFFF086;
	s6 =	sadd.s32 @!p0 s3, s7;
	s7 =	simm.s32 @!p0 $0x108  }
0x21: {  	s3 =	sadd.s32 s3, s9;
	s6 =	sadd.s32 @!p0 $0x88, s6;
	s7 =	simm.s32 @p2 $0x1082  }
0x22: {  	[simem:s7], [sflag:s8] =	dma.local @!p0 [hbm:s6], $0xF7A  }
0x23: {  	s9 =	sor.u32 $0xD0000000, s2;
	s6 =	simm.s32 $0x108;
	_ =	swait.ge @!p0 [sflag:s8], $0x0  }
0x24: {  	s3 =	sadd.s32 $0x88, s3;
	s6 =	simm.s32 @!p1 $0x1082;
	[sflag:s4] =	ssyncset.s32 $0xFFFFF086  }
0x25: {  	[simem:s6], [sflag:s4] =	dma.local [hbm:s3], $0xF7A  }
0x26: {  	[smem:$0x3F9B] =	sst s1;
	(tag) =	ssettag s2;
	_ =	strace s9  }
0x27: {  	s1 =	sld [smem:$0x3FAB]  }
0x28: {  	s2 =	sld [smem:$0x3FAC]  }
0x29: {  	s4 =	sld [smem:$0x3FAE]  }
0x2a: {  	p0 =	seq.s32 s5, $0x0;
	s5 =	sld [smem:$0x3FAF]  }
0x2b: {  	s6 =	sld [smem:$0x3FB0]  }
0x2c: {  	s7 =	sld [smem:$0x3FB1]  }
0x2d: {  	s3 =	simm.s32 $0x108;
	s8 =	sld [smem:$0x3FB2]  }
0x2e: {  	s3 =	simm.s32 @!p0 $0x1082;
	s9 =	sld [smem:$0x3FB3]  }
0x2f: {  	lr =	sadd.s32 s0, s3;
	s0 =	sld [smem:$0x3FAA]  }
0x30: {  	s3 =	sld [smem:$0x3FAD]  }
0x31: {  	[smem:$0x3FB6] =	sst s10  }
0x32: {  	s10 =	sld [smem:$0x3FB4];
	_ =	sdelay $0x3  }
0x33: {  	p0 =	seq.s32 s10, $0x1;
	s10 =	sld [smem:$0x3FB6];
	_ =	sdelay $0x3  }
0x34: {  	[smem:$0x3FB6] =	sst s10  }
0x35: {  	s10 =	sld [smem:$0x3FB5];
	_ =	sdelay $0x3  }
0x36: {  	p1 =	seq.s32 s10, $0x1;
	s10 =	sld [smem:$0x3FB6];
	_ =	sdelay $0x3  }
0x37: {  	[smem:$0x3FB6] =	sst s10  }
0x38: {  	s10 =	sld [smem:$0x3FB7]  }
0x39: {  	_ = 	snop;
	(pc) =	sbr.ind lr, $3  }
0x3a: {  	_ = 	snop  }
0x3b: {  	_ = 	snop  }
0x3c: {  	p2 =	seq.s32 s10, $0x1;
	s10 =	sld [smem:$0x3FB6]  }
0x3d: {  	_ =	shalt  }
0x3e: {  	_ =	shalt  }
0x3f: {  	_ =	shalt  }
0x40: {  	_ =	shalt  }
0x41: {  	_ =	shalt  }
0x42: {  	_ =	shalt  }
0x43: {  	_ =	shalt  }
0x44: {  	_ =	shalt  }
0x45: {  	_ =	shalt  }
0x46: {  	_ =	shalt  }
0x47: {  	_ =	shalt  }
0x48: {  	_ =	shalt  }
0x49: {  	_ =	shalt  }
0x4a: {  	_ =	shalt  }
0x4b: {  	_ =	shalt  }
0x4c: {  	_ =	shalt  }
0x4d: {  	_ =	shalt  }
0x4e: {  	_ =	shalt  }
0x4f: {  	_ =	shalt  }
0x50: {  	_ =	shalt  }
0x51: {  	_ =	shalt  }
0x52: {  	_ =	shalt  }
0x53: {  	_ =	shalt  }
0x54: {  	_ =	shalt  }
0x55: {  	_ =	shalt  }
0x56: {  	_ =	shalt  }
0x57: {  	_ =	shalt  }
0x58: {  	_ =	shalt  }
0x59: {  	_ =	shalt  }
0x5a: {  	_ =	shalt  }
0x5b: {  	_ =	shalt  }
0x5c: {  	_ =	shalt  }
0x5d: {  	_ =	shalt  }
0x5e: {  	_ =	shalt  }
0x5f: {  	_ =	shalt  }
0x60: {  	_ =	shalt  }
0x61: {  	_ =	shalt  }
0x62: {  	_ =	shalt  }
0x63: {  	_ =	shalt  }
0x64: {  	_ =	shalt  }
0x65: {  	_ =	shalt  }
0x66: {  	_ =	shalt  }
0x67: {  	_ =	shalt  }
0x68: {  	_ =	shalt  }
0x69: {  	_ =	shalt  }
0x6a: {  	_ =	shalt  }
0x6b: {  	_ =	shalt  }
0x6c: {  	_ =	shalt  }
0x6d: {  	_ =	shalt  }
0x6e: {  	_ =	shalt  }
0x6f: {  	_ =	shalt  }
0x70: {  	_ =	shalt  }
0x71: {  	_ =	shalt  }
0x72: {  	_ =	shalt  }
0x73: {  	_ =	shalt  }
0x74: {  	_ =	shalt  }
0x75: {  	_ =	shalt  }
0x76: {  	_ =	shalt  }
0x77: {  	_ =	shalt  }
0x78: {  	_ =	shalt  }
0x79: {  	_ =	shalt  }
0x7a: {  	_ =	shalt  }
0x7b: {  	_ =	shalt  }
0x7c: {  	_ =	shalt  }
0x7d: {  	_ =	shalt  }
0x7e: {  	_ =	shalt  }
0x7f: {  	_ =	shalt  }
0x80: {  	_ =	shalt  }
0x81: {  	_ =	shalt  }
0x82: {  	_ =	shalt  }
0x83: {  	_ =	shalt  }
0x84: {  	_ =	shalt  }
0x85: {  	_ =	shalt  }
0x86: {  	_ =	shalt  }
0x87: {  	_ =	shalt  }
.Lfunc_end0:
.L_simem_size_0:
called_computation_lowered:
.L_overlay_start_0:
0x88: {  	s2 =	sld [smem:$0x3FD9]  }
0x89: {  	s3 =	sld [smem:$0x3FFE];
	_ =	sdelay $0x1  }
0x8a: {  	s1 =	srdreg.scid  }
0x8b: {  	s0 =	sand.u32 $0x1, s1  }
0x8c: {  	s16 =	sshll.u32 s0, $0xA;
	s2 =	sadd.s32 s3, s2  }
0x8d: {  	s2 =	sadd.s32 s2, s16  }
0x8e: {  	[smem:$0x3FC2] =	sst s2  }
0x8f: {  	_ = 	snop  }
0x90: {  	(tm) =	ssettm $0x1  }
0x91: {  	s17 =	sld [smem:$0x3FFB];
	_ =	sdelay $0x3  }
0x92: {  	_ =	strace s17  }
0x93: {  	s2 =	sld [smem:$0x3FFC];
	_ =	sdelay $0x3  }
0x94: {  	_ =	strace s2  }
0x95: {  	s2 =	sld [smem:$0x3FFD];
	_ =	sdelay $0x3  }
0x96: {  	_ =	strace s2  }
0x97: {  	_ =	strace $0x8FFFFFFF  }
0x98: {  	s18 =	sld [smem:$0x3FDB];
	_ =	sdelay $0x1  }
0x99: {  	s19 =	simm.s32 $_scs_section_size  }
0x9a: {  	s4 =	simm.s32 $_size__tile_overlayer_lowered;
	s5 =	simm.s32 $_tile_overlayer_lowered  }
0x9b: {  	s22 =	simm.s32 $0x1BFF;
	s21 =	sshll.u32 s5, $0x1;
	s2 =	sadd.s32 s19, s18  }
0x9c: {  	s6 =	simm.s32 $0x0;
	s20 =	sshll.u32 s4, $0x1;
	s4 =	sadd.s32 s21, s2  }
0x9d: {  	[timem:s6], [sflag:s22] =	dma.local [hbm:s4], s20  }
0x9e: {  	_ =	swait.ge [sflag:s22], s20  }
0x9f: {  	s3 =	ssub.s32 $0x0, s20;
	[sflag:s22] =	ssyncset.done $0x0  }
0xa0: {  	[sflag:s22] =	ssyncadd.s32 s3;
	_ =	sdelay $0x1  }
0xa1: {  	s23 =	simm.s32 $0x1B8B  }
0xa2: {  	_ =	swait.ge [sflag:s23], $0x1  }
0xa3: {  	[sflag:s23] =	ssyncset.done $0x0  }
0xa4: {  	s25 =	simm.s32 $0x1B8E;
	s24 =	sld [smem:$0x3FFE];
	[sflag:s23] =	ssyncadd.s32 $0xFFFFFFFF  }
0xa5: {  	s26 =	simm.s32 $execute0_lowered;
	[smem:$0x3FD2] =	sst s25  }
0xa6: {  	s4 =	sshll.u32 s26, $0x1;
	_ =	strace $0x80000046;
	[dreg:$0x1] =	wrdreg $0xFFFFFFFF  }
0xa7: {  	s28 =	simm.s32 $_size_execute0_lowered;
	s2 =	sadd.s32 s2, s4;
	[dreg:$0x0] =	wrdreg $0x0  }
0xa8: {  	s4 =	sshll.u32 s28, $0x1;
	[dreg:$0x2] =	wrdreg s2  }
0xa9: {  	[dreg:$0x3] =	wrdreg s4  }
0xaa: {  	[dreg:$0x4] =	wrdreg $0xC0  }
0xab: {  	_ =	task [dreg:s6], $0x5FFFF  }
0xac: {  	[dreg:$0x1] =	wrdreg $0xFFFFFFFF  }
0xad: {  	[dreg:$0x0] =	wrdreg $0x60  }
0xae: {  	[dreg:$0x2] =	wrdreg s24  }
0xaf: {  	[dreg:$0x3] =	wrdreg $0x9  }
0xb0: {  	_ =	task.clear_ibuf [dreg:s6], $0x4FFFF;
	_ =	strace $0x90000046  }
0xb1: {  	s29 =	simm.s32 $0x9;
	_ =	strace $0x80000048  }
0xb2: {  	_ =	swait.ge [sflag:s29], $0x1  }
0xb3: {  	[sflag:s29] =	ssyncadd.s32 $0xFFFFFFFF  }
0xb4: {  	_ =	strace $0x90000048  }
0xb5: {  	_ =	sfence  }
0xb6: {  	s30 =	sld [smem:$0x0];
	_ =	sdelay $0x2  }
0xb7: {  	s31 =	sshll.u32 s1, $0xD;
	s1 =	sshrl.u32 s1, $0x2  }
0xb8: {  	s3 =	sand.u32 $0x4000, s31;
	s1 =	sadd.s32 s1, s30  }
0xb9: {  	s0 =	sor.u32 s3, s0;
	s1 =	sshll.u32 s1, $0x11  }
0xba: {  	s0 =	sor.u32 s1, s0  }
0xbb: {  	s0 =	sadd.s32 $0x8F2B, s0  }
0xbc: {  	[sflag:s0] =	ssyncadd.remote.s32 $0x1  }
0xbd: {  	_ =	sfence.sel $0xFFFF  }
0xbe: {  	[dreg:$0x0] =	wrdreg $0xFFFFFFFF;
	(pc) =	sbr.abs _section_cstart, $3  }
0xbf: {  	[dreg:$0x1] =	wrdreg $0xFFFFFFFF  }
0xc0: {  	_ =	task.clear_ibuf [dreg:s6], $0x2FFFF;
	_ =	strace $0x9FFFFFFF  }
0xc1: {  	(tm) =	ssettm $0x7FFFFFFF  }
tec
execute0_lowered:
.L_overlay_start_1:
0x0: {  	(tag) =	ssettag $0x1  }
0x1: {  	s1 =	srdreg.scid;
	s0 =	stileid.u32  }
0x2: {  	s3 =	rddreg [dreg:$0x0];
	s8 =	simm.s32 $0x80;
	s9 =	simm.s32 $0x400  }
0x3: {  	s4 =	sand.u32 $0x1, s1;
	s2 =	sshll.u32 s0, $0x1;
	s1 =	rddreg [dreg:$0x1]  }
0x4: {  	s6 =	sshrl.u32 s0, $0x2;
	s5 =	sor.u32 s4, s2;
	s2 =	simm.s32 $0x0  }
0x5: {  	s6 =	smul.u32 $0x14000, s6;
	s4 =	ssub.s32 $0x2, s4;
	s7 =	sshll.u32 s5, $0x7  }
0x6: {  	[smem:$0x7FF] =	sst s2;
	s5 =	smul.u32 $0x4E2, s5;
	s7 =	sand.u32 $0x380, s7  }
0x7: {  	s31 =	sshrl.u32 s4, $0x1;
	_ =	strace $0x80000047;
	s6 =	sor.u32 s6, s7  }
0x8: {  	s5 =	sadd.s32 s5, s3;
	s7 =	ssub.s32 s4, s31;
	s6 =	sshrl.u32 s6, $0x3  }
0x9: {  	s6 =	sadd.s32 s6, s3;
	s3 =	sadd.s32 $0x2C00, s5;
	s5 =	smax.u32 s7, $0x1  }
0xa: {  	v0 =	vimm.f32 $0.0e+00;
	v1 =	vimm.f32 $1.000000000e+00;
	s7 =	simm.s32 $0x2780;
	s4 =	sadd.s32 $0x16800, s6;
	s6 =	simm.s32 $0x1  }
.LBB2_1:
0xb: {  	s10 =	simm.s32 $0x40;
	s11 =	simm.s32 $0x0  }
.LBB2_2:
0xc: {  	p0 =	sne.s32 s10, $0x9FC0;
	[tilespmem:s11+$0x2780] =	vst v0;
	s11 =	smov.u32 s10;
	s10 =	sadd.s32 $0x40, s10  }
.Ltmp0:
0xd: {  	(pc) =	sbr.rel @p0 .LBB2_2-.Ltmp0, $2  }
0xe: {  	_ =	sdelay $0x2  }
0xf: {  	s11 =	sshra.s32 s11, $0x2  }
0x10: {  	[tilespmem:s11+$0x2780] =	vst v0;
	s10 =	simm.s32 $0x0  }
0x11: {  	[tilespmem:s10], [sflag:$0x1] =	stream.linear.gather [hbm4b:s3+s10], $0x2710, $0x38;
	[tilespmem:$0x4F80] =	vst v63  }
0x12: {  	_ =	swait.ge [sflag:s6], $0x2710  }
0x13: {  	[sflag:s6] =	ssyncset.done $0x0  }
0x14: {  	s11 =	simm.s32 $0x0;
	s10 =	simm.s32 $0x40;
	[sflag:s6] =	ssyncadd.s32 $0xFFFFD8F0  }
.LBB2_4:
0x15: {  	p0 =	sne.s32 s10, $0x9C00;
	v2 =	vld [tilespmem:s11+$0x0];
	_ =	sdelay $0x3  }
.Ltmp1:
0x16: {  	(pc) =	sbr.rel @p0 .LBB2_4-.Ltmp1, $2  }
0x17: {  	_ =	sdelay $0x2  }
0x18: {  	s11 =	sshra.s32 s10, $0x2;
	s10 =	sadd.s32 $0x40, s10;
	[tilespmem:v2+s7+$0x0] =	vst.idx.add.f32.msk $0xffff, v1  }
0x19: {  	v2 =	vld [tilespmem:s11+$0x0];
	_ =	sdelay $0x5  }
0x1a: {  	s2 =	sadd.s32 $0x1, s2  }
0x1b: {  	p0 =	sne.s32 s2, s5  }
.Ltmp2:
0x1c: {  	[tilespmem:v2+s7+$0x0] =	vst.idx.add.f32.msk $0xffff, v1;
	(pc) =	sbr.rel @p0 .LBB2_1-.Ltmp2, $4  }
0x1d: {  	[hbm4b:s4+s8] =	stream.strided.scatter [tilespmem:s7], [sflag:$0x1], $0x2800, s9, s8, $0x38;
	[tilespmem:$0x4F80] =	vst v63  }
0x1e: {  	_ =	swait.ge [sflag:s6], $0x2800  }
0x1f: {  	[sflag:s6] =	ssyncset.done $0x0  }
0x20: {  	[sflag:s6] =	ssyncadd.s32 $0xFFFFD800  }
0x21: {  	_ =	sfence.sel $0x180000  }
0x22: {  	[bflag:$0x0] =	sbarrier.arrive $0xFFFF  }
0x23: {  	p0 =	sne.s32 s0, $0x0;
	_ =	strace $0x90000047  }
0x24: {  	s0 =	sadd.s32 @!p0 $0x100000, s1;
	[bflag:$0x2] =	sbarrier.arrive $0xFFFF  }
0x25: {  	[sflag:s0] =	ssyncadd.tile.s32 @!p0 $0x1;
	_ =	shalt  }
.Lfunc_end2:
_tile_overlayer_lowered:
.L_overlay_start_2:
0x26: {  	(tag) =	ssettag $0x2  }
0x27: {  	s0 =	rddreg [dreg:$0x0];
	s2 =	stileid.u32  }
0x28: {  	s1 =	rddreg [dreg:$0x1];
	p0 =	sne.s32 s2, $0x0  }
0x29: {  	s3 =	rddreg [dreg:$0x2];
	[bflag:$0x3] =	sbarrier.arrive $0xFFFF;
	s2 =	simm.s32 @!p0 $0x1C01  }
0x2a: {  	[timem:s3], [sflag:s2] =	dma.local @!p0 [hbm:s0], s1  }
0x2b: {  	s0 =	simm.s32 @!p0 $0x1  }
0x2c: {  	_ =	swait.ge @!p0 [sflag:s0], s1  }
0x2d: {  	s1 =	ssub.s32 @!p0 $0x0, s1;
	[sflag:s0] =	ssyncset.done @!p0 $0x0  }
0x2e: {  	[sflag:s0] =	ssyncadd.s32 @!p0 s1  }
0x2f: {  	[bflag:$0x3] =	sbarrier.arrive $0xFFFF  }
0x30: {  	_ =	shalt  }

</sc_bundles>
